<compile_context>
chip_gen: v7x
topology: tpu7x:2x2x1
jax: 0.10.2.dev20260603
libtpu: 0.0.44.dev20260713+nightly
codegen_flags: <defaults>
</compile_context>

<pallas_src>
import functools

import jax
import jax.numpy as jnp
from jax import lax
from jax.experimental import pallas as pl
from jax.experimental.pallas import tpu as pltpu
from jax.experimental.pallas import tpu_sc as plsc

N = 10000
E = 320000
DN = 128
DE = 16
HID = 128
DG = 8

NC = 2
NS = 16
NW = NC * NS

EPW = E // NW
EPC = E // NC
GC = 400
GA = 400
NP = 10240
ARows = NP // 16
XRows = NP // 64

BE = 640
BN = 2560


@functools.lru_cache(maxsize=None)
def _sc_mesh():
    return plsc.VectorSubcoreMesh(
        core_axis_name="c", subcore_axis_name="s", num_cores=NC, num_subcores=NS
    )


def _gather_body(nf_hbm, src_hbm, dst_hbm, out_s_hbm, out_d_hbm,
                 idx_s, idx_d, rows_s, rows_d, sem_s, sem_d):
    c = lax.axis_index("c")
    s = lax.axis_index("s")
    base = (c * NS + s) * EPW

    def chunk(k, carry):
        off = base + k * GC
        pltpu.sync_copy(src_hbm.at[pl.ds(off, GC)], idx_s)
        pltpu.sync_copy(dst_hbm.at[pl.ds(off, GC)], idx_d)
        cp_s = pltpu.async_copy(nf_hbm.at[idx_s], rows_s, sem_s)
        cp_d = pltpu.async_copy(nf_hbm.at[idx_d], rows_d, sem_d)
        cp_s.wait()
        cp_d.wait()
        pltpu.sync_copy(rows_s, out_s_hbm.at[pl.ds(off, GC)])
        pltpu.sync_copy(rows_d, out_d_hbm.at[pl.ds(off, GC)])
        return carry

    lax.fori_loop(0, EPW // GC, chunk, 0)


@functools.lru_cache(maxsize=None)
def _gather_kernel():
    return pl.kernel(
        _gather_body,
        out_type=(
            jax.ShapeDtypeStruct((E, DN), jnp.float32),
            jax.ShapeDtypeStruct((E, DN), jnp.float32),
        ),
        mesh=_sc_mesh(),
        scratch_types=[
            pltpu.VMEM((GC,), jnp.int32),
            pltpu.VMEM((GC,), jnp.int32),
            pltpu.VMEM((GC, DN), jnp.float32),
            pltpu.VMEM((GC, DN), jnp.float32),
            pltpu.SemaphoreType.DMA,
            pltpu.SemaphoreType.DMA,
        ],
    )


def _gather(nf, src, dst):
    return _gather_kernel()(nf, src, dst)


def _edge_body(ef_r, ns_r, nd_r, wef_r, ws_r, wd_r, b1_r, w2e_r, b2e_r,
               w2a_r, b2a_r, uef_r, m_r, w_r):
    x = jnp.dot(ef_r[...], wef_r[...], preferred_element_type=jnp.float32)
    x = x + jnp.dot(ns_r[...], ws_r[...], preferred_element_type=jnp.float32)
    x = x + jnp.dot(nd_r[...], wd_r[...], preferred_element_type=jnp.float32)
    h = jnp.maximum(x + b1_r[...], 0.0)
    he = h[:, :HID]
    ha = h[:, HID:]
    uef = jnp.dot(he, w2e_r[...], preferred_element_type=jnp.float32) + b2e_r[...]
    logit = jnp.dot(ha, w2a_r[...], preferred_element_type=jnp.float32) + b2a_r[...]
    w = jnp.exp(logit)
    uef_r[...] = uef
    m_r[...] = uef * w
    w_r[...] = w


def _edge_mlp(ef, nf_src, nf_dst, Wef, Ws, Wd, b1, W2e, b2e, W2a, b2a):
    full = lambda shape: pl.BlockSpec(shape, lambda i: (0,) * len(shape))
    return pl.pallas_call(
        _edge_body,
        grid=(E // BE,),
        in_specs=[
            pl.BlockSpec((BE, DE), lambda i: (i, 0)),
            pl.BlockSpec((BE, DN), lambda i: (i, 0)),
            pl.BlockSpec((BE, DN), lambda i: (i, 0)),
            full((DE, 2 * HID)),
            full((DN, 2 * HID)),
            full((DN, 2 * HID)),
            full((1, 2 * HID)),
            full((HID, DN)),
            full((1, DN)),
            full((HID, 1)),
            full((1, 1)),
        ],
        out_specs=[
            pl.BlockSpec((BE, DN), lambda i: (i, 0)),
            pl.BlockSpec((BE, DN), lambda i: (i, 0)),
            pl.BlockSpec((BE, 1), lambda i: (i, 0)),
        ],
        out_shape=[
            jax.ShapeDtypeStruct((E, DN), jnp.float32),
            jax.ShapeDtypeStruct((E, DN), jnp.float32),
            jax.ShapeDtypeStruct((E, 1), jnp.float32),
        ],
    )(ef, nf_src, nf_dst, Wef, Ws, Wd, b1, W2e, b2e, W2a, b2a)


def _scatter_body(m_hbm, w_hbm, dst_hbm, zm_hbm, za_hbm,
                  S_out, D_out, idx_b, m_b, idx_b2, m_b2, idx_a, w_b,
                  acc, aux, sem_iA, sem_mA, sem_iB, sem_mB):
    c = lax.axis_index("c")
    s = lax.axis_index("s")
    wid = c * NS + s
    lanes = lax.iota(jnp.int32, 16)
    lane8 = lanes & 7
    lane1 = lanes & 1
    half = lanes >> 3
    pair = lanes >> 1

    def vgather(vec, pat):
        return lax.gather(
            vec, pat[:, None],
            lax.GatherDimensionNumbers(offset_dims=(), collapsed_slice_dims=(0,),
                                       start_index_map=(0,)),
            slice_sizes=(1,), mode=lax.GatherScatterMode.PROMISE_IN_BOUNDS)

    pltpu.sync_copy(zm_hbm, acc)
    pltpu.sync_copy(za_hbm, aux)

    nchunk = EPC // GC
    base_m = c * EPC
    last = base_m + (nchunk - 1) * GC

    def compute(buf_i, buf_m):
        def step(t, carry2):
            idx16 = buf_i[pl.ds(t * 16, 16)]
            rowv = idx16 >> 4
            colb = (idx16 & 15) << 3
            for k8 in range(8):
                pat = half + 2 * k8
                rowp = vgather(rowv, pat)
                colp = vgather(colb, pat) + lane8
                vals = plsc.load_gather(buf_m, [t * 16 + pat, lane8])
                plsc.addupdate_scatter(acc, [rowp, colp], vals)
            return carry2

        lax.fori_loop(0, GC // 16, step, 0)

    def startA(off):
        pltpu.async_copy(dst_hbm.at[pl.ds(off, GC)], idx_b, sem_iA)
        pltpu.async_copy(
            m_hbm.at[pl.ds(off, GC), pl.ds(s * DG, DG)], m_b, sem_mA)

    def waitA():
        pltpu.make_async_copy(dst_hbm.at[pl.ds(0, GC)], idx_b, sem_iA).wait()
        pltpu.make_async_copy(
            m_hbm.at[pl.ds(0, GC), pl.ds(0, DG)], m_b, sem_mA).wait()

    startA(base_m)

    def chunk_pair(k2, carry):
        offB = base_m + (2 * k2 + 1) * GC
        cpBi = pltpu.async_copy(dst_hbm.at[pl.ds(offB, GC)], idx_b2, sem_iB)
        cpBm = pltpu.async_copy(
            m_hbm.at[pl.ds(offB, GC), pl.ds(s * DG, DG)], m_b2, sem_mB)
        waitA()
        compute(idx_b, m_b)
        startA(jnp.minimum(base_m + (2 * k2 + 2) * GC, last))
        cpBi.wait()
        cpBm.wait()
        compute(idx_b2, m_b2)
        return carry

    lax.fori_loop(0, nchunk // 2, chunk_pair, 0)
    waitA()

    def chunk_a(k, carry):
        off = wid * EPW + k * GA
        pltpu.sync_copy(dst_hbm.at[pl.ds(off, GA)], idx_a)
        pltpu.sync_copy(w_hbm.at[pl.ds(off, GA)], w_b)

        def step(t, carry2):
            idx16 = idx_a[pl.ds(t * 16, 16)]
            w16 = w_b[pl.ds(t * 16, 16)]
            rowv = idx16 >> 6
            colb = (idx16 & 63) << 1
            for k8 in range(2):
                pat = pair + 8 * k8
                rowp = vgather(rowv, pat)
                colp = vgather(colb, pat) + lane1
                vals = jnp.where(lane1 == 0, vgather(w16, pat), 1.0)
                plsc.addupdate_scatter(aux, [rowp, colp], vals)
            return carry2

        lax.fori_loop(0, GA // 16, step, 0)
        return carry

    lax.fori_loop(0, EPW // GA, chunk_a, 0)

    pltpu.sync_copy(acc, S_out.at[pl.ds(wid * ARows, ARows)])
    pltpu.sync_copy(aux, D_out.at[pl.ds(wid * XRows, XRows)])


@functools.lru_cache(maxsize=None)
def _scatter_kernel():
    return pl.kernel(
        _scatter_body,
        out_type=(
            jax.ShapeDtypeStruct((NW * ARows, 128), jnp.float32),
            jax.ShapeDtypeStruct((NW * XRows, 128), jnp.float32),
        ),
        mesh=_sc_mesh(),
        compiler_params=pltpu.CompilerParams(needs_layout_passes=False, use_tc_tiling_on_sc=False),
        scratch_types=[
            pltpu.VMEM((GC,), jnp.int32),
            pltpu.VMEM((GC, DG), jnp.float32),
            pltpu.VMEM((GC,), jnp.int32),
            pltpu.VMEM((GC, DG), jnp.float32),
            pltpu.VMEM((GA,), jnp.int32),
            pltpu.VMEM((GA,), jnp.float32),
            pltpu.VMEM((ARows, 128), jnp.float32),
            pltpu.VMEM((XRows, 128), jnp.float32),
            pltpu.SemaphoreType.DMA,
            pltpu.SemaphoreType.DMA,
            pltpu.SemaphoreType.DMA,
            pltpu.SemaphoreType.DMA,
        ],
    )


def _scatter(m, w, dst, zm, za):
    return _scatter_kernel()(m, w, dst, zm, za)


def _node_body(S_r, D_r, nf_r, wna_r, wnn_r, b1n_r, w2n_r, b2n_r, unf_r):
    Ssum = S_r[...]
    d = D_r[...]
    denom = d[:, 0:1]
    cnt = d[:, 1:2]
    agg = Ssum / jnp.maximum(denom, 1e-16)
    aggm = agg / jnp.maximum(cnt, 1.0)
    h = jnp.maximum(
        jnp.dot(aggm, wna_r[...], preferred_element_type=jnp.float32)
        + jnp.dot(nf_r[...], wnn_r[...], preferred_element_type=jnp.float32)
        + b1n_r[...],
        0.0,
    )
    unf_r[...] = jnp.dot(h, w2n_r[...], preferred_element_type=jnp.float32) + b2n_r[...]


def _node_mlp(S4, D3, nf, Wna, Wnn, b1n, W2n, b2n):
    full = lambda shape: pl.BlockSpec(shape, lambda i: (0,) * len(shape))
    return pl.pallas_call(
        _node_body,
        grid=(NP // BN,),
        in_specs=[
            pl.BlockSpec((BN, DN), lambda i: (i, 0)),
            pl.BlockSpec((BN, 2), lambda i: (i, 0)),
            pl.BlockSpec((BN, DN), lambda i: (i, 0)),
            full((DN, HID)),
            full((DN, HID)),
            full((1, HID)),
            full((HID, DN)),
            full((1, DN)),
        ],
        out_specs=pl.BlockSpec((BN, DN), lambda i: (i, 0)),
        out_shape=jax.ShapeDtypeStruct((NP, DN), jnp.float32),
    )(S4, D3, nf, Wna, Wnn, b1n, W2n, b2n)


def kernel(nf, ef, edge_index, W1_e, b1_e, W2_e, b2_e, W1_a, b1_a, W2_a, b2_a,
           W1_n, b1_n, W2_n, b2_n):
    src = edge_index[0]
    dst = edge_index[1]

    Wef = jnp.concatenate([W1_e[:DE], W1_a[:DE]], axis=1)
    Ws = jnp.concatenate([W1_e[DE:DE + DN], W1_a[DE:DE + DN]], axis=1)
    Wd = jnp.concatenate([W1_e[DE + DN:], W1_a[DE + DN:]], axis=1)
    b1 = jnp.concatenate([b1_e, b1_a]).reshape(1, 2 * HID)

    nf_src, nf_dst = _gather(nf, src, dst)
    uef, m, w2 = _edge_mlp(
        ef, nf_src, nf_dst, Wef, Ws, Wd, b1,
        W2_e, b2_e.reshape(1, DN), W2_a, b2_a.reshape(1, 1)
    )

    S_out, D_out = _scatter(
        m, w2.reshape(E), dst,
        jnp.zeros((ARows, 128), jnp.float32),
        jnp.zeros((XRows, 128), jnp.float32)
    )
    S_node = jnp.moveaxis(
        S_out.reshape(NC, NS, NP, DG).sum(0), 0, 1).reshape(NP, DN)
    D_node = D_out.reshape(NW, NP, 2).sum(0)
    nf_pad = jnp.concatenate(
        [nf, jnp.zeros((NP - N, DN), jnp.float32)], axis=0)

    unf_pad = _node_mlp(
        S_node, D_node, nf_pad, W1_n[:DN], W1_n[DN:], b1_n.reshape(1, HID),
        W2_n, b2_n.reshape(1, DN)
    )
    return unf_pad[:N], uef

# --- scband reference (transcript-rebuilt; emitter-appended) ---
"""Pipeline reference for scband-attn-mpnnlayer-25357486915982 (READ-ONLY COPY).

The authoritative reference and input builder live on the scoring server;
editing this copy changes nothing except your own understanding.
"""

import jax, jax.numpy as jnp
import numpy as np

N = 10000
E = 320000
D_N = 128
D_E = 16
D_EOUT = 128
D_NOUT = 128
HID = 128


def mlp(x, W1, b1, W2, b2):
    h = jax.nn.relu(x @ W1 + b1)
    return h @ W2 + b2


def setup_inputs(seed: int = 0) -> dict:
    key = jax.random.key(seed)
    ks = jax.random.split(key, 16)
    s = 0.02
    nf = jax.random.normal(ks[0], (N, D_N), dtype=jnp.float32)
    ef = jax.random.normal(ks[1], (E, D_E), dtype=jnp.float32)
    edge_index = jax.random.randint(ks[2], (2, E), 0, N)
    em_in = D_E + 2 * D_N
    nm_in = D_N + D_EOUT
    return {
        "nf": nf,
        "ef": ef,
        "edge_index": edge_index,
        "W1_e": jax.random.normal(ks[3], (em_in, HID), dtype=jnp.float32) * s,
        "b1_e": jnp.zeros((HID,), dtype=jnp.float32),
        "W2_e": jax.random.normal(ks[4], (HID, D_EOUT), dtype=jnp.float32) * s,
        "b2_e": jnp.zeros((D_EOUT,), dtype=jnp.float32),
        "W1_a": jax.random.normal(ks[5], (em_in, HID), dtype=jnp.float32) * s,
        "b1_a": jnp.zeros((HID,), dtype=jnp.float32),
        "W2_a": jax.random.normal(ks[6], (HID, 1), dtype=jnp.float32) * s,
        "b2_a": jnp.zeros((1,), dtype=jnp.float32),
        "W1_n": jax.random.normal(ks[7], (nm_in, HID), dtype=jnp.float32) * s,
        "b1_n": jnp.zeros((HID,), dtype=jnp.float32),
        "W2_n": jax.random.normal(ks[8], (HID, D_NOUT), dtype=jnp.float32) * s,
        "b2_n": jnp.zeros((D_NOUT,), dtype=jnp.float32),
    }


def reference(nf, ef, edge_index, W1_e, b1_e, W2_e, b2_e, W1_a, b1_a, W2_a, b2_a, W1_n, b1_n, W2_n, b2_n):
    src = edge_index[0]
    dst = edge_index[1]
    # edge_update: em_input = [ef, src_nf, dst_nf]
    em_input = jnp.concatenate([ef, nf[src], nf[dst]], axis=-1)
    uef = mlp(em_input, W1_e, b1_e, W2_e, b2_e)
    # attention logits + dgl edge_softmax (softmax over incoming edges per dst node)
    logits = mlp(em_input, W1_a, b1_a, W2_a, b2_a)  # [E, 1]
    seg_max = jax.ops.segment_max(logits, dst, num_segments=N)  # [N, 1]
    seg_max = jnp.where(jnp.isfinite(seg_max), seg_max, 0.0)
    exp_l = jnp.exp(logits - seg_max[dst])
    denom = jax.ops.segment_sum(exp_l, dst, num_segments=N)  # [N, 1]
    attn = exp_l / jnp.maximum(denom[dst], 1e-16)
    # message = uef * attn; reduce = mean over incoming edges
    m = uef * attn
    agg = jax.ops.segment_sum(m, dst, num_segments=N)
    cnt = jax.ops.segment_sum(jnp.ones((E,), dtype=jnp.float32), dst, num_segments=N)
    agg_m = agg / jnp.maximum(cnt, 1.0)[:, None]
    # node_update
    nm_input = jnp.concatenate([agg_m, nf], axis=-1)
    unf = mlp(nm_input, W1_n, b1_n, W2_n, b2_n)
    return (unf, uef)

if __name__ == "__main__":
    import jax
    _d = setup_inputs()
    print(jax.jit(kernel)(*tuple(_d.values())))

</pallas_src>

<mosaic_0001>
#map = affine_map<(d0, d1) -> (0, 0)>
#map1 = affine_map<(d0, d1) -> (0)>
module attributes {stable_mosaic.version = 14 : i64} {
  func.func @_gather_body(%arg0: i32, %arg1: i32, %arg2: memref<10000x128xf32, #tpu.memory_space<hbm>>, %arg3: memref<320000xi32, #tpu.memory_space<hbm>>, %arg4: memref<320000xi32, #tpu.memory_space<hbm>>, %arg5: memref<320000x128xf32, #tpu.memory_space<hbm>>, %arg6: memref<320000x128xf32, #tpu.memory_space<hbm>>, %arg7: memref<400xi32, #tpu.memory_space<vmem>>, %arg8: memref<400xi32, #tpu.memory_space<vmem>>, %arg9: memref<400x128xf32, #tpu.memory_space<vmem>>, %arg10: memref<400x128xf32, #tpu.memory_space<vmem>>, %arg11: memref<!tpu.dma_semaphore, #tpu.memory_space<semaphore_mem>>, %arg12: memref<!tpu.dma_semaphore, #tpu.memory_space<semaphore_mem>>) attributes {dimension_semantics = [#tpu.dimension_semantics<core_parallel>, #tpu.dimension_semantics<subcore_parallel>], iteration_bounds = array<i64: 2, 16>, scalar_prefetch = 0 : i64, scratch_operands = 6 : i64, tpu.core_type = #tpu.core_type<sc_vector_subcore>, window_params = [{transform_indices = #map}, {transform_indices = #map1}, {transform_indices = #map1}, {transform_indices = #map}, {transform_indices = #map}]} {
    %mul3A = arith.constant 16 : i32
    %mul3A_0 = arith.muli %arg0, %mul3A : i32
    %add3A = arith.addi %mul3A_0, %arg1 : i32
    %mul3A_1 = arith.constant 10000 : i32
    %mul3A_2 = arith.muli %add3A, %mul3A_1 : i32
    %scan3A = arith.constant 0 : i32
    %scan3A_3 = arith.constant 0 : i32
    %scan3A_4 = arith.constant 25 : i32
    %scan3A_5 = arith.addi %scan3A_3, %scan3A_4 : i32
    %scan3A_6 = arith.constant 1 : i32
    scf.for %scan3A_8 = %scan3A_3 to %scan3A_5 step %scan3A_6  : i32 {
      %mul3A_9 = arith.constant 400 : i32
      %mul3A_10 = arith.muli %scan3A_8, %mul3A_9 : i32
      %add3A_11 = arith.addi %mul3A_2, %mul3A_10 : i32
      "tpu.region"() ({
        %run_scoped3A = tpu.sem_alloc : memref<!tpu.dma_semaphore, #tpu.memory_space<semaphore_mem>>
        %dma_start3A_22 = tpu.memref_slice %arg3[%add3A_11] : memref<320000xi32, #tpu.memory_space<hbm>> -> memref<400xi32, #tpu.memory_space<hbm>>
        %dma_start3A_23 = tpu.memref_slice %arg3[%add3A_11] : memref<320000xi32, #tpu.memory_space<hbm>> -> memref<400xi32, #tpu.memory_space<hbm>>
        tpu.enqueue_dma source(%dma_start3A_23 : memref<400xi32, #tpu.memory_space<hbm>>) target(%arg7 : memref<400xi32, #tpu.memory_space<vmem>>) target_semaphore(%run_scoped3A : memref<!tpu.dma_semaphore, #tpu.memory_space<semaphore_mem>>)
        %dma_wait3A_24 = tpu.memref_slice %arg3[%add3A_11] : memref<320000xi32, #tpu.memory_space<hbm>> -> memref<400xi32, #tpu.memory_space<hbm>>
        %dma_wait3A_25 = tpu.memref_slice %arg3[%add3A_11] : memref<320000xi32, #tpu.memory_space<hbm>> -> memref<400xi32, #tpu.memory_space<hbm>>
        tpu.wait_dma2 semaphore(%run_scoped3A : memref<!tpu.dma_semaphore, #tpu.memory_space<semaphore_mem>>) src(%dma_wait3A_25 : memref<400xi32, #tpu.memory_space<hbm>>) dst(%arg7 : memref<400xi32, #tpu.memory_space<vmem>>)
        tpu.yield
      }) : () -> ()
      "tpu.region"() ({
        %run_scoped3A = tpu.sem_alloc : memref<!tpu.dma_semaphore, #tpu.memory_space<semaphore_mem>>
        %dma_start3A_22 = tpu.memref_slice %arg4[%add3A_11] : memref<320000xi32, #tpu.memory_space<hbm>> -> memref<400xi32, #tpu.memory_space<hbm>>
        %dma_start3A_23 = tpu.memref_slice %arg4[%add3A_11] : memref<320000xi32, #tpu.memory_space<hbm>> -> memref<400xi32, #tpu.memory_space<hbm>>
        tpu.enqueue_dma source(%dma_start3A_23 : memref<400xi32, #tpu.memory_space<hbm>>) target(%arg8 : memref<400xi32, #tpu.memory_space<vmem>>) target_semaphore(%run_scoped3A : memref<!tpu.dma_semaphore, #tpu.memory_space<semaphore_mem>>)
        %dma_wait3A_24 = tpu.memref_slice %arg4[%add3A_11] : memref<320000xi32, #tpu.memory_space<hbm>> -> memref<400xi32, #tpu.memory_space<hbm>>
        %dma_wait3A_25 = tpu.memref_slice %arg4[%add3A_11] : memref<320000xi32, #tpu.memory_space<hbm>> -> memref<400xi32, #tpu.memory_space<hbm>>
        tpu.wait_dma2 semaphore(%run_scoped3A : memref<!tpu.dma_semaphore, #tpu.memory_space<semaphore_mem>>) src(%dma_wait3A_25 : memref<400xi32, #tpu.memory_space<hbm>>) dst(%arg8 : memref<400xi32, #tpu.memory_space<vmem>>)
        tpu.yield
      }) : () -> ()
      %dma_start3A = arith.constant 0 : i32
      %dma_start3A_12 = arith.constant 0 : i32
      %dma_start3A_13 = tpu.memref_slice %arg2[%dma_start3A, %dma_start3A_12] : memref<10000x128xf32, #tpu.memory_space<hbm>> -> memref<10000x128xf32, #tpu.memory_space<hbm>>
      tpu.enqueue_indirect_dma source(%dma_start3A_13 : memref<10000x128xf32, #tpu.memory_space<hbm>>) target(%arg9 : memref<400x128xf32, #tpu.memory_space<vmem>>) offsets(%arg7 : memref<400xi32, #tpu.memory_space<vmem>>) semaphore(%arg11 : memref<!tpu.dma_semaphore, #tpu.memory_space<semaphore_mem>>)
      %dma_start3A_14 = arith.constant 0 : i32
      %dma_start3A_15 = arith.constant 0 : i32
      %dma_start3A_16 = tpu.memref_slice %arg2[%dma_start3A_14, %dma_start3A_15] : memref<10000x128xf32, #tpu.memory_space<hbm>> -> memref<10000x128xf32, #tpu.memory_space<hbm>>
      tpu.enqueue_indirect_dma source(%dma_start3A_16 : memref<10000x128xf32, #tpu.memory_space<hbm>>) target(%arg10 : memref<400x128xf32, #tpu.memory_space<vmem>>) offsets(%arg8 : memref<400xi32, #tpu.memory_space<vmem>>) semaphore(%arg12 : memref<!tpu.dma_semaphore, #tpu.memory_space<semaphore_mem>>)
      %dma_wait3A = arith.constant 0 : i32
      %dma_wait3A_17 = arith.constant 0 : i32
      %dma_wait3A_18 = tpu.memref_slice %arg2[%dma_wait3A, %dma_wait3A_17] : memref<10000x128xf32, #tpu.memory_space<hbm>> -> memref<10000x128xf32, #tpu.memory_space<hbm>>
      tpu.wait_indirect_dma semaphore(%arg11 : memref<!tpu.dma_semaphore, #tpu.memory_space<semaphore_mem>>) src(%dma_wait3A_18 : memref<10000x128xf32, #tpu.memory_space<hbm>>) dst(%arg9 : memref<400x128xf32, #tpu.memory_space<vmem>>)
      %dma_wait3A_19 = arith.constant 0 : i32
      %dma_wait3A_20 = arith.constant 0 : i32
      %dma_wait3A_21 = tpu.memref_slice %arg2[%dma_wait3A_19, %dma_wait3A_20] : memref<10000x128xf32, #tpu.memory_space<hbm>> -> memref<10000x128xf32, #tpu.memory_space<hbm>>
      tpu.wait_indirect_dma semaphore(%arg12 : memref<!tpu.dma_semaphore, #tpu.memory_space<semaphore_mem>>) src(%dma_wait3A_21 : memref<10000x128xf32, #tpu.memory_space<hbm>>) dst(%arg10 : memref<400x128xf32, #tpu.memory_space<vmem>>)
      "tpu.region"() ({
        %run_scoped3A = tpu.sem_alloc : memref<!tpu.dma_semaphore, #tpu.memory_space<semaphore_mem>>
        %dma_start3A_22 = arith.constant 0 : i32
        %dma_start3A_23 = tpu.memref_slice %arg5[%add3A_11, %dma_start3A_22] : memref<320000x128xf32, #tpu.memory_space<hbm>> -> memref<400x128xf32, #tpu.memory_space<hbm>>
        %dma_start3A_24 = arith.constant 0 : i32
        %dma_start3A_25 = tpu.memref_slice %arg5[%add3A_11, %dma_start3A_24] : memref<320000x128xf32, #tpu.memory_space<hbm>> -> memref<400x128xf32, #tpu.memory_space<hbm>>
        tpu.enqueue_dma source(%arg9 : memref<400x128xf32, #tpu.memory_space<vmem>>) target(%dma_start3A_25 : memref<400x128xf32, #tpu.memory_space<hbm>>) target_semaphore(%run_scoped3A : memref<!tpu.dma_semaphore, #tpu.memory_space<semaphore_mem>>)
        %dma_wait3A_26 = arith.constant 0 : i32
        %dma_wait3A_27 = tpu.memref_slice %arg5[%add3A_11, %dma_wait3A_26] : memref<320000x128xf32, #tpu.memory_space<hbm>> -> memref<400x128xf32, #tpu.memory_space<hbm>>
        %dma_wait3A_28 = arith.constant 0 : i32
        %dma_wait3A_29 = tpu.memref_slice %arg5[%add3A_11, %dma_wait3A_28] : memref<320000x128xf32, #tpu.memory_space<hbm>> -> memref<400x128xf32, #tpu.memory_space<hbm>>
        tpu.wait_dma2 semaphore(%run_scoped3A : memref<!tpu.dma_semaphore, #tpu.memory_space<semaphore_mem>>) src(%arg9 : memref<400x128xf32, #tpu.memory_space<vmem>>) dst(%dma_wait3A_29 : memref<400x128xf32, #tpu.memory_space<hbm>>)
        tpu.yield
      }) : () -> ()
      "tpu.region"() ({
        %run_scoped3A = tpu.sem_alloc : memref<!tpu.dma_semaphore, #tpu.memory_space<semaphore_mem>>
        %dma_start3A_22 = arith.constant 0 : i32
        %dma_start3A_23 = tpu.memref_slice %arg6[%add3A_11, %dma_start3A_22] : memref<320000x128xf32, #tpu.memory_space<hbm>> -> memref<400x128xf32, #tpu.memory_space<hbm>>
        %dma_start3A_24 = arith.constant 0 : i32
        %dma_start3A_25 = tpu.memref_slice %arg6[%add3A_11, %dma_start3A_24] : memref<320000x128xf32, #tpu.memory_space<hbm>> -> memref<400x128xf32, #tpu.memory_space<hbm>>
        tpu.enqueue_dma source(%arg10 : memref<400x128xf32, #tpu.memory_space<vmem>>) target(%dma_start3A_25 : memref<400x128xf32, #tpu.memory_space<hbm>>) target_semaphore(%run_scoped3A : memref<!tpu.dma_semaphore, #tpu.memory_space<semaphore_mem>>)
        %dma_wait3A_26 = arith.constant 0 : i32
        %dma_wait3A_27 = tpu.memref_slice %arg6[%add3A_11, %dma_wait3A_26] : memref<320000x128xf32, #tpu.memory_space<hbm>> -> memref<400x128xf32, #tpu.memory_space<hbm>>
        %dma_wait3A_28 = arith.constant 0 : i32
        %dma_wait3A_29 = tpu.memref_slice %arg6[%add3A_11, %dma_wait3A_28] : memref<320000x128xf32, #tpu.memory_space<hbm>> -> memref<400x128xf32, #tpu.memory_space<hbm>>
        tpu.wait_dma2 semaphore(%run_scoped3A : memref<!tpu.dma_semaphore, #tpu.memory_space<semaphore_mem>>) src(%arg10 : memref<400x128xf32, #tpu.memory_space<vmem>>) dst(%dma_wait3A_29 : memref<400x128xf32, #tpu.memory_space<hbm>>)
        tpu.yield
      }) : () -> ()
    }
    %scan3A_7 = arith.constant 25 : i32
    return
  }
}

#map = affine_map<(d0, d1) -> (0, 0)>
#map1 = affine_map<(d0, d1) -> (0)>
module attributes {stable_mosaic.version = 14 : i64} {
  func.func @_scatter_body(%arg0: i32, %arg1: i32, %arg2: memref<320000x128xf32, #tpu.memory_space<hbm>>, %arg3: memref<320000xf32, #tpu.memory_space<hbm>>, %arg4: memref<320000xi32, #tpu.memory_space<hbm>>, %arg5: memref<640x128xf32, #tpu.memory_space<hbm>>, %arg6: memref<160x128xf32, #tpu.memory_space<hbm>>, %arg7: memref<20480x128xf32, #tpu.memory_space<hbm>>, %arg8: memref<5120x128xf32, #tpu.memory_space<hbm>>, %arg9: memref<400xi32, #tpu.memory_space<vmem>>, %arg10: memref<400x8xf32, #tpu.memory_space<vmem>>, %arg11: memref<400xi32, #tpu.memory_space<vmem>>, %arg12: memref<400x8xf32, #tpu.memory_space<vmem>>, %arg13: memref<400xi32, #tpu.memory_space<vmem>>, %arg14: memref<400xf32, #tpu.memory_space<vmem>>, %arg15: memref<640x128xf32, #tpu.memory_space<vmem>>, %arg16: memref<160x128xf32, #tpu.memory_space<vmem>>, %arg17: memref<!tpu.dma_semaphore, #tpu.memory_space<semaphore_mem>>, %arg18: memref<!tpu.dma_semaphore, #tpu.memory_space<semaphore_mem>>, %arg19: memref<!tpu.dma_semaphore, #tpu.memory_space<semaphore_mem>>, %arg20: memref<!tpu.dma_semaphore, #tpu.memory_space<semaphore_mem>>) attributes {dimension_semantics = [#tpu.dimension_semantics<core_parallel>, #tpu.dimension_semantics<subcore_parallel>], iteration_bounds = array<i64: 2, 16>, scalar_prefetch = 0 : i64, scratch_operands = 12 : i64, tpu.core_type = #tpu.core_type<sc_vector_subcore>, window_params = [{transform_indices = #map}, {transform_indices = #map1}, {transform_indices = #map1}, {transform_indices = #map}, {transform_indices = #map}, {transform_indices = #map}, {transform_indices = #map}]} {
    %mul3A = arith.constant 16 : i32
    %mul3A_0 = arith.muli %arg0, %mul3A : i32
    %add3A = arith.addi %mul3A_0, %arg1 : i32
    %iota3A = tpu.iota {dimensions = array<i32: 0>} : vector<16xi32>
    %and3A = arith.constant 7 : i32
    %and3A_1 = vector.broadcast %and3A : i32 to vector<16xi32>
    %and3A_2 = arith.andi %iota3A, %and3A_1 : vector<16xi32>
    %and3A_3 = arith.constant 1 : i32
    %and3A_4 = vector.broadcast %and3A_3 : i32 to vector<16xi32>
    %and3A_5 = arith.andi %iota3A, %and3A_4 : vector<16xi32>
    %shift_right_arithmetic3A = arith.constant 3 : i32
    %shift_right_arithmetic3A_6 = vector.broadcast %shift_right_arithmetic3A : i32 to vector<16xi32>
    %shift_right_arithmetic3A_7 = arith.shrsi %iota3A, %shift_right_arithmetic3A_6 : vector<16xi32>
    %shift_right_arithmetic3A_8 = arith.constant 1 : i32
    %shift_right_arithmetic3A_9 = vector.broadcast %shift_right_arithmetic3A_8 : i32 to vector<16xi32>
    %shift_right_arithmetic3A_10 = arith.shrsi %iota3A, %shift_right_arithmetic3A_9 : vector<16xi32>
    "tpu.region"() ({
      %run_scoped3A = tpu.sem_alloc : memref<!tpu.dma_semaphore, #tpu.memory_space<semaphore_mem>>
      tpu.enqueue_dma source(%arg5 : memref<640x128xf32, #tpu.memory_space<hbm>>) target(%arg15 : memref<640x128xf32, #tpu.memory_space<vmem>>) target_semaphore(%run_scoped3A : memref<!tpu.dma_semaphore, #tpu.memory_space<semaphore_mem>>)
      tpu.wait_dma2 semaphore(%run_scoped3A : memref<!tpu.dma_semaphore, #tpu.memory_space<semaphore_mem>>) src(%arg5 : memref<640x128xf32, #tpu.memory_space<hbm>>) dst(%arg15 : memref<640x128xf32, #tpu.memory_space<vmem>>)
      tpu.yield
    }) : () -> ()
    "tpu.region"() ({
      %run_scoped3A = tpu.sem_alloc : memref<!tpu.dma_semaphore, #tpu.memory_space<semaphore_mem>>
      tpu.enqueue_dma source(%arg6 : memref<160x128xf32, #tpu.memory_space<hbm>>) target(%arg16 : memref<160x128xf32, #tpu.memory_space<vmem>>) target_semaphore(%run_scoped3A : memref<!tpu.dma_semaphore, #tpu.memory_space<semaphore_mem>>)
      tpu.wait_dma2 semaphore(%run_scoped3A : memref<!tpu.dma_semaphore, #tpu.memory_space<semaphore_mem>>) src(%arg6 : memref<160x128xf32, #tpu.memory_space<hbm>>) dst(%arg16 : memref<160x128xf32, #tpu.memory_space<vmem>>)
      tpu.yield
    }) : () -> ()
    %mul3A_11 = arith.constant 160000 : i32
    %mul3A_12 = arith.muli %arg0, %mul3A_11 : i32
    %add3A_13 = arith.constant 159600 : i32
    %add3A_14 = arith.addi %mul3A_12, %add3A_13 : i32
    %dma_start3A = tpu.memref_slice %arg4[%mul3A_12] : memref<320000xi32, #tpu.memory_space<hbm>> -> memref<400xi32, #tpu.memory_space<hbm>>
    %dma_start3A_15 = tpu.memref_slice %arg4[%mul3A_12] : memref<320000xi32, #tpu.memory_space<hbm>> -> memref<400xi32, #tpu.memory_space<hbm>>
    tpu.enqueue_dma source(%dma_start3A_15 : memref<400xi32, #tpu.memory_space<hbm>>) target(%arg9 : memref<400xi32, #tpu.memory_space<vmem>>) target_semaphore(%arg17 : memref<!tpu.dma_semaphore, #tpu.memory_space<semaphore_mem>>)
    %mul3A_16 = arith.constant 8 : i32
    %mul3A_17 = arith.muli %arg1, %mul3A_16 : i32
    %dma_start3A_18 = tpu.memref_slice %arg2[%mul3A_12, %mul3A_17] : memref<320000x128xf32, #tpu.memory_space<hbm>> -> memref<400x8xf32, #tpu.memory_space<hbm>>
    %dma_start3A_19 = tpu.memref_slice %arg2[%mul3A_12, %mul3A_17] : memref<320000x128xf32, #tpu.memory_space<hbm>> -> memref<400x8xf32, #tpu.memory_space<hbm>>
    tpu.enqueue_dma source(%dma_start3A_19 : memref<400x8xf32, #tpu.memory_space<hbm>>) target(%arg10 : memref<400x8xf32, #tpu.memory_space<vmem>>) target_semaphore(%arg18 : memref<!tpu.dma_semaphore, #tpu.memory_space<semaphore_mem>>)
    %scan3A = arith.constant 0 : i32
    %scan3A_20 = arith.constant 0 : i32
    %scan3A_21 = arith.constant 200 : i32
    %scan3A_22 = arith.addi %scan3A_20, %scan3A_21 : i32
    %scan3A_23 = arith.constant 1 : i32
    scf.for %scan3A_44 = %scan3A_20 to %scan3A_22 step %scan3A_23  : i32 {
      %mul3A_45 = arith.constant 2 : i32
      %mul3A_46 = arith.muli %mul3A_45, %scan3A_44 : i32
      %add3A_47 = arith.constant 1 : i32
      %add3A_48 = arith.addi %mul3A_46, %add3A_47 : i32
      %mul3A_49 = arith.constant 400 : i32
      %mul3A_50 = arith.muli %add3A_48, %mul3A_49 : i32
      %add3A_51 = arith.addi %mul3A_12, %mul3A_50 : i32
      %dma_start3A_52 = tpu.memref_slice %arg4[%add3A_51] : memref<320000xi32, #tpu.memory_space<hbm>> -> memref<400xi32, #tpu.memory_space<hbm>>
      %dma_start3A_53 = tpu.memref_slice %arg4[%add3A_51] : memref<320000xi32, #tpu.memory_space<hbm>> -> memref<400xi32, #tpu.memory_space<hbm>>
      tpu.enqueue_dma source(%dma_start3A_53 : memref<400xi32, #tpu.memory_space<hbm>>) target(%arg11 : memref<400xi32, #tpu.memory_space<vmem>>) target_semaphore(%arg19 : memref<!tpu.dma_semaphore, #tpu.memory_space<semaphore_mem>>)
      %mul3A_54 = arith.constant 8 : i32
      %mul3A_55 = arith.muli %arg1, %mul3A_54 : i32
      %dma_start3A_56 = tpu.memref_slice %arg2[%add3A_51, %mul3A_55] : memref<320000x128xf32, #tpu.memory_space<hbm>> -> memref<400x8xf32, #tpu.memory_space<hbm>>
      %dma_start3A_57 = tpu.memref_slice %arg2[%add3A_51, %mul3A_55] : memref<320000x128xf32, #tpu.memory_space<hbm>> -> memref<400x8xf32, #tpu.memory_space<hbm>>
      tpu.enqueue_dma source(%dma_start3A_57 : memref<400x8xf32, #tpu.memory_space<hbm>>) target(%arg12 : memref<400x8xf32, #tpu.memory_space<vmem>>) target_semaphore(%arg20 : memref<!tpu.dma_semaphore, #tpu.memory_space<semaphore_mem>>)
      %dma_wait3A_58 = arith.constant 0 : i32
      %dma_wait3A_59 = tpu.memref_slice %arg4[%dma_wait3A_58] : memref<320000xi32, #tpu.memory_space<hbm>> -> memref<400xi32, #tpu.memory_space<hbm>>
      %dma_wait3A_60 = arith.constant 0 : i32
      %dma_wait3A_61 = tpu.memref_slice %arg4[%dma_wait3A_60] : memref<320000xi32, #tpu.memory_space<hbm>> -> memref<400xi32, #tpu.memory_space<hbm>>
      tpu.wait_dma2 semaphore(%arg17 : memref<!tpu.dma_semaphore, #tpu.memory_space<semaphore_mem>>) src(%dma_wait3A_61 : memref<400xi32, #tpu.memory_space<hbm>>) dst(%arg9 : memref<400xi32, #tpu.memory_space<vmem>>)
      %dma_wait3A_62 = arith.constant 0 : i32
      %dma_wait3A_63 = arith.constant 0 : i32
      %dma_wait3A_64 = tpu.memref_slice %arg2[%dma_wait3A_62, %dma_wait3A_63] : memref<320000x128xf32, #tpu.memory_space<hbm>> -> memref<400x8xf32, #tpu.memory_space<hbm>>
      %dma_wait3A_65 = arith.constant 0 : i32
      %dma_wait3A_66 = arith.constant 0 : i32
      %dma_wait3A_67 = tpu.memref_slice %arg2[%dma_wait3A_65, %dma_wait3A_66] : memref<320000x128xf32, #tpu.memory_space<hbm>> -> memref<400x8xf32, #tpu.memory_space<hbm>>
      tpu.wait_dma2 semaphore(%arg18 : memref<!tpu.dma_semaphore, #tpu.memory_space<semaphore_mem>>) src(%dma_wait3A_67 : memref<400x8xf32, #tpu.memory_space<hbm>>) dst(%arg10 : memref<400x8xf32, #tpu.memory_space<vmem>>)
      %scan3A_68 = arith.constant 0 : i32
      %scan3A_69 = arith.constant 0 : i32
      %scan3A_70 = arith.constant 25 : i32
      %scan3A_71 = arith.addi %scan3A_69, %scan3A_70 : i32
      %scan3A_72 = arith.constant 1 : i32
      scf.for %scan3A_97 = %scan3A_69 to %scan3A_71 step %scan3A_72  : i32 {
        %mul3A_98 = arith.constant 16 : i32
        %mul3A_99 = arith.muli %scan3A_97, %mul3A_98 : i32
        %get3A = arith.index_cast %mul3A_99 : i32 to index
        %get3A_100 = tpu.vector_load %arg9[%get3A] {strides = array<i32>} : memref<400xi32, #tpu.memory_space<vmem>>, vector<16xi32>,
        %shift_right_arithmetic3A_101 = arith.constant 4 : i32
        %shift_right_arithmetic3A_102 = vector.broadcast %shift_right_arithmetic3A_101 : i32 to vector<16xi32>
        %shift_right_arithmetic3A_103 = arith.shrsi %get3A_100, %shift_right_arithmetic3A_102 : vector<16xi32>
        %and3A_104 = arith.constant 15 : i32
        %and3A_105 = vector.broadcast %and3A_104 : i32 to vector<16xi32>
        %and3A_106 = arith.andi %get3A_100, %and3A_105 : vector<16xi32>
        %shift_left3A = arith.constant 3 : i32
        %shift_left3A_107 = vector.broadcast %shift_left3A : i32 to vector<16xi32>
        %shift_left3A_108 = arith.shli %and3A_106, %shift_left3A_107 : vector<16xi32>
        %add3A_109 = arith.constant 0 : i32
        %add3A_110 = vector.broadcast %add3A_109 : i32 to vector<16xi32>
        %add3A_111 = arith.addi %shift_right_arithmetic3A_7, %add3A_110 : vector<16xi32>
        %broadcast_in_dim3A = vector.shape_cast %add3A_111 : vector<16xi32> to vector<16x1xi32>
        %gather3A = vector.shape_cast %broadcast_in_dim3A : vector<16x1xi32> to vector<16xi32>
        %gather3A_112 = tpu.dynamic_gather %shift_right_arithmetic3A_103[%gather3A] in [0] : vector<16xi32>, vector<16xi32> -> vector<16xi32>
        %broadcast_in_dim3A_113 = vector.shape_cast %add3A_111 : vector<16xi32> to vector<16x1xi32>
        %gather3A_114 = vector.shape_cast %broadcast_in_dim3A_113 : vector<16x1xi32> to vector<16xi32>
        %gather3A_115 = tpu.dynamic_gather %shift_left3A_108[%gather3A_114] in [0] : vector<16xi32>, vector<16xi32> -> vector<16xi32>
        %add3A_116 = arith.addi %gather3A_115, %and3A_2 : vector<16xi32>
        %mul3A_117 = arith.constant 16 : i32
        %mul3A_118 = arith.muli %scan3A_97, %mul3A_117 : i32
        %add3A_119 = vector.broadcast %mul3A_118 : i32 to vector<16xi32>
        %add3A_120 = arith.addi %add3A_119, %add3A_111 : vector<16xi32>
        %gather3A_121 = tpu.vector_load_idx %arg10[%add3A_120, %and3A_2] : memref<400x8xf32, #tpu.memory_space<vmem>>[vector<16xi32>, vector<16xi32>], vector<16xf32>,
        tpu.vector_store_idx %arg15[%gather3A_112, %add3A_116], %gather3A_121 {add = true} : memref<640x128xf32, #tpu.memory_space<vmem>>[vector<16xi32>, vector<16xi32>], vector<16xf32>,
        %add3A_122 = arith.constant 2 : i32
        %add3A_123 = vector.broadcast %add3A_122 : i32 to vector<16xi32>
        %add3A_124 = arith.addi %shift_right_arithmetic3A_7, %add3A_123 : vector<16xi32>
        %broadcast_in_dim3A_125 = vector.shape_cast %add3A_124 : vector<16xi32> to vector<16x1xi32>
        %gather3A_126 = vector.shape_cast %broadcast_in_dim3A_125 : vector<16x1xi32> to vector<16xi32>
        %gather3A_127 = tpu.dynamic_gather %shift_right_arithmetic3A_103[%gather3A_126] in [0] : vector<16xi32>, vector<16xi32> -> vector<16xi32>
        %broadcast_in_dim3A_128 = vector.shape_cast %add3A_124 : vector<16xi32> to vector<16x1xi32>
        %gather3A_129 = vector.shape_cast %broadcast_in_dim3A_128 : vector<16x1xi32> to vector<16xi32>
        %gather3A_130 = tpu.dynamic_gather %shift_left3A_108[%gather3A_129] in [0] : vector<16xi32>, vector<16xi32> -> vector<16xi32>
        %add3A_131 = arith.addi %gather3A_130, %and3A_2 : vector<16xi32>
        %mul3A_132 = arith.constant 16 : i32
        %mul3A_133 = arith.muli %scan3A_97, %mul3A_132 : i32
        %add3A_134 = vector.broadcast %mul3A_133 : i32 to vector<16xi32>
        %add3A_135 = arith.addi %add3A_134, %add3A_124 : vector<16xi32>
        %gather3A_136 = tpu.vector_load_idx %arg10[%add3A_135, %and3A_2] : memref<400x8xf32, #tpu.memory_space<vmem>>[vector<16xi32>, vector<16xi32>], vector<16xf32>,
        tpu.vector_store_idx %arg15[%gather3A_127, %add3A_131], %gather3A_136 {add = true} : memref<640x128xf32, #tpu.memory_space<vmem>>[vector<16xi32>, vector<16xi32>], vector<16xf32>,
        %add3A_137 = arith.constant 4 : i32
        %add3A_138 = vector.broadcast %add3A_137 : i32 to vector<16xi32>
        %add3A_139 = arith.addi %shift_right_arithmetic3A_7, %add3A_138 : vector<16xi32>
        %broadcast_in_dim3A_140 = vector.shape_cast %add3A_139 : vector<16xi32> to vector<16x1xi32>
        %gather3A_141 = vector.shape_cast %broadcast_in_dim3A_140 : vector<16x1xi32> to vector<16xi32>
        %gather3A_142 = tpu.dynamic_gather %shift_right_arithmetic3A_103[%gather3A_141] in [0] : vector<16xi32>, vector<16xi32> -> vector<16xi32>
        %broadcast_in_dim3A_143 = vector.shape_cast %add3A_139 : vector<16xi32> to vector<16x1xi32>
        %gather3A_144 = vector.shape_cast %broadcast_in_dim3A_143 : vector<16x1xi32> to vector<16xi32>
        %gather3A_145 = tpu.dynamic_gather %shift_left3A_108[%gather3A_144] in [0] : vector<16xi32>, vector<16xi32> -> vector<16xi32>
        %add3A_146 = arith.addi %gather3A_145, %and3A_2 : vector<16xi32>
        %mul3A_147 = arith.constant 16 : i32
        %mul3A_148 = arith.muli %scan3A_97, %mul3A_147 : i32
        %add3A_149 = vector.broadcast %mul3A_148 : i32 to vector<16xi32>
        %add3A_150 = arith.addi %add3A_149, %add3A_139 : vector<16xi32>
        %gather3A_151 = tpu.vector_load_idx %arg10[%add3A_150, %and3A_2] : memref<400x8xf32, #tpu.memory_space<vmem>>[vector<16xi32>, vector<16xi32>], vector<16xf32>,
        tpu.vector_store_idx %arg15[%gather3A_142, %add3A_146], %gather3A_151 {add = true} : memref<640x128xf32, #tpu.memory_space<vmem>>[vector<16xi32>, vector<16xi32>], vector<16xf32>,
        %add3A_152 = arith.constant 6 : i32
        %add3A_153 = vector.broadcast %add3A_152 : i32 to vector<16xi32>
        %add3A_154 = arith.addi %shift_right_arithmetic3A_7, %add3A_153 : vector<16xi32>
        %broadcast_in_dim3A_155 = vector.shape_cast %add3A_154 : vector<16xi32> to vector<16x1xi32>
        %gather3A_156 = vector.shape_cast %broadcast_in_dim3A_155 : vector<16x1xi32> to vector<16xi32>
        %gather3A_157 = tpu.dynamic_gather %shift_right_arithmetic3A_103[%gather3A_156] in [0] : vector<16xi32>, vector<16xi32> -> vector<16xi32>
        %broadcast_in_dim3A_158 = vector.shape_cast %add3A_154 : vector<16xi32> to vector<16x1xi32>
        %gather3A_159 = vector.shape_cast %broadcast_in_dim3A_158 : vector<16x1xi32> to vector<16xi32>
        %gather3A_160 = tpu.dynamic_gather %shift_left3A_108[%gather3A_159] in [0] : vector<16xi32>, vector<16xi32> -> vector<16xi32>
        %add3A_161 = arith.addi %gather3A_160, %and3A_2 : vector<16xi32>
        %mul3A_162 = arith.constant 16 : i32
        %mul3A_163 = arith.muli %scan3A_97, %mul3A_162 : i32
        %add3A_164 = vector.broadcast %mul3A_163 : i32 to vector<16xi32>
        %add3A_165 = arith.addi %add3A_164, %add3A_154 : vector<16xi32>
        %gather3A_166 = tpu.vector_load_idx %arg10[%add3A_165, %and3A_2] : memref<400x8xf32, #tpu.memory_space<vmem>>[vector<16xi32>, vector<16xi32>], vector<16xf32>,
        tpu.vector_store_idx %arg15[%gather3A_157, %add3A_161], %gather3A_166 {add = true} : memref<640x128xf32, #tpu.memory_space<vmem>>[vector<16xi32>, vector<16xi32>], vector<16xf32>,
        %add3A_167 = arith.constant 8 : i32
        %add3A_168 = vector.broadcast %add3A_167 : i32 to vector<16xi32>
        %add3A_169 = arith.addi %shift_right_arithmetic3A_7, %add3A_168 : vector<16xi32>
        %broadcast_in_dim3A_170 = vector.shape_cast %add3A_169 : vector<16xi32> to vector<16x1xi32>
        %gather3A_171 = vector.shape_cast %broadcast_in_dim3A_170 : vector<16x1xi32> to vector<16xi32>
        %gather3A_172 = tpu.dynamic_gather %shift_right_arithmetic3A_103[%gather3A_171] in [0] : vector<16xi32>, vector<16xi32> -> vector<16xi32>
        %broadcast_in_dim3A_173 = vector.shape_cast %add3A_169 : vector<16xi32> to vector<16x1xi32>
        %gather3A_174 = vector.shape_cast %broadcast_in_dim3A_173 : vector<16x1xi32> to vector<16xi32>
        %gather3A_175 = tpu.dynamic_gather %shift_left3A_108[%gather3A_174] in [0] : vector<16xi32>, vector<16xi32> -> vector<16xi32>
        %add3A_176 = arith.addi %gather3A_175, %and3A_2 : vector<16xi32>
        %mul3A_177 = arith.constant 16 : i32
        %mul3A_178 = arith.muli %scan3A_97, %mul3A_177 : i32
        %add3A_179 = vector.broadcast %mul3A_178 : i32 to vector<16xi32>
        %add3A_180 = arith.addi %add3A_179, %add3A_169 : vector<16xi32>
        %gather3A_181 = tpu.vector_load_idx %arg10[%add3A_180, %and3A_2] : memref<400x8xf32, #tpu.memory_space<vmem>>[vector<16xi32>, vector<16xi32>], vector<16xf32>,
        tpu.vector_store_idx %arg15[%gather3A_172, %add3A_176], %gather3A_181 {add = true} : memref<640x128xf32, #tpu.memory_space<vmem>>[vector<16xi32>, vector<16xi32>], vector<16xf32>,
        %add3A_182 = arith.constant 10 : i32
        %add3A_183 = vector.broadcast %add3A_182 : i32 to vector<16xi32>
        %add3A_184 = arith.addi %shift_right_arithmetic3A_7, %add3A_183 : vector<16xi32>
        %broadcast_in_dim3A_185 = vector.shape_cast %add3A_184 : vector<16xi32> to vector<16x1xi32>
        %gather3A_186 = vector.shape_cast %broadcast_in_dim3A_185 : vector<16x1xi32> to vector<16xi32>
        %gather3A_187 = tpu.dynamic_gather %shift_right_arithmetic3A_103[%gather3A_186] in [0] : vector<16xi32>, vector<16xi32> -> vector<16xi32>
        %broadcast_in_dim3A_188 = vector.shape_cast %add3A_184 : vector<16xi32> to vector<16x1xi32>
        %gather3A_189 = vector.shape_cast %broadcast_in_dim3A_188 : vector<16x1xi32> to vector<16xi32>
        %gather3A_190 = tpu.dynamic_gather %shift_left3A_108[%gather3A_189] in [0] : vector<16xi32>, vector<16xi32> -> vector<16xi32>
        %add3A_191 = arith.addi %gather3A_190, %and3A_2 : vector<16xi32>
        %mul3A_192 = arith.constant 16 : i32
        %mul3A_193 = arith.muli %scan3A_97, %mul3A_192 : i32
        %add3A_194 = vector.broadcast %mul3A_193 : i32 to vector<16xi32>
        %add3A_195 = arith.addi %add3A_194, %add3A_184 : vector<16xi32>
        %gather3A_196 = tpu.vector_load_idx %arg10[%add3A_195, %and3A_2] : memref<400x8xf32, #tpu.memory_space<vmem>>[vector<16xi32>, vector<16xi32>], vector<16xf32>,
        tpu.vector_store_idx %arg15[%gather3A_187, %add3A_191], %gather3A_196 {add = true} : memref<640x128xf32, #tpu.memory_space<vmem>>[vector<16xi32>, vector<16xi32>], vector<16xf32>,
        %add3A_197 = arith.constant 12 : i32
        %add3A_198 = vector.broadcast %add3A_197 : i32 to vector<16xi32>
        %add3A_199 = arith.addi %shift_right_arithmetic3A_7, %add3A_198 : vector<16xi32>
        %broadcast_in_dim3A_200 = vector.shape_cast %add3A_199 : vector<16xi32> to vector<16x1xi32>
        %gather3A_201 = vector.shape_cast %broadcast_in_dim3A_200 : vector<16x1xi32> to vector<16xi32>
        %gather3A_202 = tpu.dynamic_gather %shift_right_arithmetic3A_103[%gather3A_201] in [0] : vector<16xi32>, vector<16xi32> -> vector<16xi32>
        %broadcast_in_dim3A_203 = vector.shape_cast %add3A_199 : vector<16xi32> to vector<16x1xi32>
        %gather3A_204 = vector.shape_cast %broadcast_in_dim3A_203 : vector<16x1xi32> to vector<16xi32>
        %gather3A_205 = tpu.dynamic_gather %shift_left3A_108[%gather3A_204] in [0] : vector<16xi32>, vector<16xi32> -> vector<16xi32>
        %add3A_206 = arith.addi %gather3A_205, %and3A_2 : vector<16xi32>
        %mul3A_207 = arith.constant 16 : i32
        %mul3A_208 = arith.muli %scan3A_97, %mul3A_207 : i32
        %add3A_209 = vector.broadcast %mul3A_208 : i32 to vector<16xi32>
        %add3A_210 = arith.addi %add3A_209, %add3A_199 : vector<16xi32>
        %gather3A_211 = tpu.vector_load_idx %arg10[%add3A_210, %and3A_2] : memref<400x8xf32, #tpu.memory_space<vmem>>[vector<16xi32>, vector<16xi32>], vector<16xf32>,
        tpu.vector_store_idx %arg15[%gather3A_202, %add3A_206], %gather3A_211 {add = true} : memref<640x128xf32, #tpu.memory_space<vmem>>[vector<16xi32>, vector<16xi32>], vector<16xf32>,
        %add3A_212 = arith.constant 14 : i32
        %add3A_213 = vector.broadcast %add3A_212 : i32 to vector<16xi32>
        %add3A_214 = arith.addi %shift_right_arithmetic3A_7, %add3A_213 : vector<16xi32>
        %broadcast_in_dim3A_215 = vector.shape_cast %add3A_214 : vector<16xi32> to vector<16x1xi32>
        %gather3A_216 = vector.shape_cast %broadcast_in_dim3A_215 : vector<16x1xi32> to vector<16xi32>
        %gather3A_217 = tpu.dynamic_gather %shift_right_arithmetic3A_103[%gather3A_216] in [0] : vector<16xi32>, vector<16xi32> -> vector<16xi32>
        %broadcast_in_dim3A_218 = vector.shape_cast %add3A_214 : vector<16xi32> to vector<16x1xi32>
        %gather3A_219 = vector.shape_cast %broadcast_in_dim3A_218 : vector<16x1xi32> to vector<16xi32>
        %gather3A_220 = tpu.dynamic_gather %shift_left3A_108[%gather3A_219] in [0] : vector<16xi32>, vector<16xi32> -> vector<16xi32>
        %add3A_221 = arith.addi %gather3A_220, %and3A_2 : vector<16xi32>
        %mul3A_222 = arith.constant 16 : i32
        %mul3A_223 = arith.muli %scan3A_97, %mul3A_222 : i32
        %add3A_224 = vector.broadcast %mul3A_223 : i32 to vector<16xi32>
        %add3A_225 = arith.addi %add3A_224, %add3A_214 : vector<16xi32>
        %gather3A_226 = tpu.vector_load_idx %arg10[%add3A_225, %and3A_2] : memref<400x8xf32, #tpu.memory_space<vmem>>[vector<16xi32>, vector<16xi32>], vector<16xf32>,
        tpu.vector_store_idx %arg15[%gather3A_217, %add3A_221], %gather3A_226 {add = true} : memref<640x128xf32, #tpu.memory_space<vmem>>[vector<16xi32>, vector<16xi32>], vector<16xf32>,
      }
      %scan3A_73 = arith.constant 25 : i32
      %mul3A_74 = arith.constant 2 : i32
      %mul3A_75 = arith.muli %mul3A_74, %scan3A_44 : i32
      %add3A_76 = arith.constant 2 : i32
      %add3A_77 = arith.addi %mul3A_75, %add3A_76 : i32
      %mul3A_78 = arith.constant 400 : i32
      %mul3A_79 = arith.muli %add3A_77, %mul3A_78 : i32
      %add3A_80 = arith.addi %mul3A_12, %mul3A_79 : i32
      %min3A = arith.minsi %add3A_80, %add3A_14 : i32
      %dma_start3A_81 = tpu.memref_slice %arg4[%min3A] : memref<320000xi32, #tpu.memory_space<hbm>> -> memref<400xi32, #tpu.memory_space<hbm>>
      %dma_start3A_82 = tpu.memref_slice %arg4[%min3A] : memref<320000xi32, #tpu.memory_space<hbm>> -> memref<400xi32, #tpu.memory_space<hbm>>
      tpu.enqueue_dma source(%dma_start3A_82 : memref<400xi32, #tpu.memory_space<hbm>>) target(%arg9 : memref<400xi32, #tpu.memory_space<vmem>>) target_semaphore(%arg17 : memref<!tpu.dma_semaphore, #tpu.memory_space<semaphore_mem>>)
      %mul3A_83 = arith.constant 8 : i32
      %mul3A_84 = arith.muli %arg1, %mul3A_83 : i32
      %dma_start3A_85 = tpu.memref_slice %arg2[%min3A, %mul3A_84] : memref<320000x128xf32, #tpu.memory_space<hbm>> -> memref<400x8xf32, #tpu.memory_space<hbm>>
      %dma_start3A_86 = tpu.memref_slice %arg2[%min3A, %mul3A_84] : memref<320000x128xf32, #tpu.memory_space<hbm>> -> memref<400x8xf32, #tpu.memory_space<hbm>>
      tpu.enqueue_dma source(%dma_start3A_86 : memref<400x8xf32, #tpu.memory_space<hbm>>) target(%arg10 : memref<400x8xf32, #tpu.memory_space<vmem>>) target_semaphore(%arg18 : memref<!tpu.dma_semaphore, #tpu.memory_space<semaphore_mem>>)
      %dma_wait3A_87 = tpu.memref_slice %arg4[%add3A_51] : memref<320000xi32, #tpu.memory_space<hbm>> -> memref<400xi32, #tpu.memory_space<hbm>>
      %dma_wait3A_88 = tpu.memref_slice %arg4[%add3A_51] : memref<320000xi32, #tpu.memory_space<hbm>> -> memref<400xi32, #tpu.memory_space<hbm>>
      tpu.wait_dma2 semaphore(%arg19 : memref<!tpu.dma_semaphore, #tpu.memory_space<semaphore_mem>>) src(%dma_wait3A_88 : memref<400xi32, #tpu.memory_space<hbm>>) dst(%arg11 : memref<400xi32, #tpu.memory_space<vmem>>)
      %dma_wait3A_89 = tpu.memref_slice %arg2[%add3A_51, %mul3A_55] : memref<320000x128xf32, #tpu.memory_space<hbm>> -> memref<400x8xf32, #tpu.memory_space<hbm>>
      %dma_wait3A_90 = tpu.memref_slice %arg2[%add3A_51, %mul3A_55] : memref<320000x128xf32, #tpu.memory_space<hbm>> -> memref<400x8xf32, #tpu.memory_space<hbm>>
      tpu.wait_dma2 semaphore(%arg20 : memref<!tpu.dma_semaphore, #tpu.memory_space<semaphore_mem>>) src(%dma_wait3A_90 : memref<400x8xf32, #tpu.memory_space<hbm>>) dst(%arg12 : memref<400x8xf32, #tpu.memory_space<vmem>>)
      %scan3A_91 = arith.constant 0 : i32
      %scan3A_92 = arith.constant 0 : i32
      %scan3A_93 = arith.constant 25 : i32
      %scan3A_94 = arith.addi %scan3A_92, %scan3A_93 : i32
      %scan3A_95 = arith.constant 1 : i32
      scf.for %scan3A_97 = %scan3A_92 to %scan3A_94 step %scan3A_95  : i32 {
        %mul3A_98 = arith.constant 16 : i32
        %mul3A_99 = arith.muli %scan3A_97, %mul3A_98 : i32
        %get3A = arith.index_cast %mul3A_99 : i32 to index
        %get3A_100 = tpu.vector_load %arg11[%get3A] {strides = array<i32>} : memref<400xi32, #tpu.memory_space<vmem>>, vector<16xi32>,
        %shift_right_arithmetic3A_101 = arith.constant 4 : i32
        %shift_right_arithmetic3A_102 = vector.broadcast %shift_right_arithmetic3A_101 : i32 to vector<16xi32>
        %shift_right_arithmetic3A_103 = arith.shrsi %get3A_100, %shift_right_arithmetic3A_102 : vector<16xi32>
        %and3A_104 = arith.constant 15 : i32
        %and3A_105 = vector.broadcast %and3A_104 : i32 to vector<16xi32>
        %and3A_106 = arith.andi %get3A_100, %and3A_105 : vector<16xi32>
        %shift_left3A = arith.constant 3 : i32
        %shift_left3A_107 = vector.broadcast %shift_left3A : i32 to vector<16xi32>
        %shift_left3A_108 = arith.shli %and3A_106, %shift_left3A_107 : vector<16xi32>
        %add3A_109 = arith.constant 0 : i32
        %add3A_110 = vector.broadcast %add3A_109 : i32 to vector<16xi32>
        %add3A_111 = arith.addi %shift_right_arithmetic3A_7, %add3A_110 : vector<16xi32>
        %broadcast_in_dim3A = vector.shape_cast %add3A_111 : vector<16xi32> to vector<16x1xi32>
        %gather3A = vector.shape_cast %broadcast_in_dim3A : vector<16x1xi32> to vector<16xi32>
        %gather3A_112 = tpu.dynamic_gather %shift_right_arithmetic3A_103[%gather3A] in [0] : vector<16xi32>, vector<16xi32> -> vector<16xi32>
        %broadcast_in_dim3A_113 = vector.shape_cast %add3A_111 : vector<16xi32> to vector<16x1xi32>
        %gather3A_114 = vector.shape_cast %broadcast_in_dim3A_113 : vector<16x1xi32> to vector<16xi32>
        %gather3A_115 = tpu.dynamic_gather %shift_left3A_108[%gather3A_114] in [0] : vector<16xi32>, vector<16xi32> -> vector<16xi32>
        %add3A_116 = arith.addi %gather3A_115, %and3A_2 : vector<16xi32>
        %mul3A_117 = arith.constant 16 : i32
        %mul3A_118 = arith.muli %scan3A_97, %mul3A_117 : i32
        %add3A_119 = vector.broadcast %mul3A_118 : i32 to vector<16xi32>
        %add3A_120 = arith.addi %add3A_119, %add3A_111 : vector<16xi32>
        %gather3A_121 = tpu.vector_load_idx %arg12[%add3A_120, %and3A_2] : memref<400x8xf32, #tpu.memory_space<vmem>>[vector<16xi32>, vector<16xi32>], vector<16xf32>,
        tpu.vector_store_idx %arg15[%gather3A_112, %add3A_116], %gather3A_121 {add = true} : memref<640x128xf32, #tpu.memory_space<vmem>>[vector<16xi32>, vector<16xi32>], vector<16xf32>,
        %add3A_122 = arith.constant 2 : i32
        %add3A_123 = vector.broadcast %add3A_122 : i32 to vector<16xi32>
        %add3A_124 = arith.addi %shift_right_arithmetic3A_7, %add3A_123 : vector<16xi32>
        %broadcast_in_dim3A_125 = vector.shape_cast %add3A_124 : vector<16xi32> to vector<16x1xi32>
        %gather3A_126 = vector.shape_cast %broadcast_in_dim3A_125 : vector<16x1xi32> to vector<16xi32>
        %gather3A_127 = tpu.dynamic_gather %shift_right_arithmetic3A_103[%gather3A_126] in [0] : vector<16xi32>, vector<16xi32> -> vector<16xi32>
        %broadcast_in_dim3A_128 = vector.shape_cast %add3A_124 : vector<16xi32> to vector<16x1xi32>
        %gather3A_129 = vector.shape_cast %broadcast_in_dim3A_128 : vector<16x1xi32> to vector<16xi32>
        %gather3A_130 = tpu.dynamic_gather %shift_left3A_108[%gather3A_129] in [0] : vector<16xi32>, vector<16xi32> -> vector<16xi32>
        %add3A_131 = arith.addi %gather3A_130, %and3A_2 : vector<16xi32>
        %mul3A_132 = arith.constant 16 : i32
        %mul3A_133 = arith.muli %scan3A_97, %mul3A_132 : i32
        %add3A_134 = vector.broadcast %mul3A_133 : i32 to vector<16xi32>
        %add3A_135 = arith.addi %add3A_134, %add3A_124 : vector<16xi32>
        %gather3A_136 = tpu.vector_load_idx %arg12[%add3A_135, %and3A_2] : memref<400x8xf32, #tpu.memory_space<vmem>>[vector<16xi32>, vector<16xi32>], vector<16xf32>,
        tpu.vector_store_idx %arg15[%gather3A_127, %add3A_131], %gather3A_136 {add = true} : memref<640x128xf32, #tpu.memory_space<vmem>>[vector<16xi32>, vector<16xi32>], vector<16xf32>,
        %add3A_137 = arith.constant 4 : i32
        %add3A_138 = vector.broadcast %add3A_137 : i32 to vector<16xi32>
        %add3A_139 = arith.addi %shift_right_arithmetic3A_7, %add3A_138 : vector<16xi32>
        %broadcast_in_dim3A_140 = vector.shape_cast %add3A_139 : vector<16xi32> to vector<16x1xi32>
        %gather3A_141 = vector.shape_cast %broadcast_in_dim3A_140 : vector<16x1xi32> to vector<16xi32>
        %gather3A_142 = tpu.dynamic_gather %shift_right_arithmetic3A_103[%gather3A_141] in [0] : vector<16xi32>, vector<16xi32> -> vector<16xi32>
        %broadcast_in_dim3A_143 = vector.shape_cast %add3A_139 : vector<16xi32> to vector<16x1xi32>
        %gather3A_144 = vector.shape_cast %broadcast_in_dim3A_143 : vector<16x1xi32> to vector<16xi32>
        %gather3A_145 = tpu.dynamic_gather %shift_left3A_108[%gather3A_144] in [0] : vector<16xi32>, vector<16xi32> -> vector<16xi32>
        %add3A_146 = arith.addi %gather3A_145, %and3A_2 : vector<16xi32>
        %mul3A_147 = arith.constant 16 : i32
        %mul3A_148 = arith.muli %scan3A_97, %mul3A_147 : i32
        %add3A_149 = vector.broadcast %mul3A_148 : i32 to vector<16xi32>
        %add3A_150 = arith.addi %add3A_149, %add3A_139 : vector<16xi32>
        %gather3A_151 = tpu.vector_load_idx %arg12[%add3A_150, %and3A_2] : memref<400x8xf32, #tpu.memory_space<vmem>>[vector<16xi32>, vector<16xi32>], vector<16xf32>,
        tpu.vector_store_idx %arg15[%gather3A_142, %add3A_146], %gather3A_151 {add = true} : memref<640x128xf32, #tpu.memory_space<vmem>>[vector<16xi32>, vector<16xi32>], vector<16xf32>,
        %add3A_152 = arith.constant 6 : i32
        %add3A_153 = vector.broadcast %add3A_152 : i32 to vector<16xi32>
        %add3A_154 = arith.addi %shift_right_arithmetic3A_7, %add3A_153 : vector<16xi32>
        %broadcast_in_dim3A_155 = vector.shape_cast %add3A_154 : vector<16xi32> to vector<16x1xi32>
        %gather3A_156 = vector.shape_cast %broadcast_in_dim3A_155 : vector<16x1xi32> to vector<16xi32>
        %gather3A_157 = tpu.dynamic_gather %shift_right_arithmetic3A_103[%gather3A_156] in [0] : vector<16xi32>, vector<16xi32> -> vector<16xi32>
        %broadcast_in_dim3A_158 = vector.shape_cast %add3A_154 : vector<16xi32> to vector<16x1xi32>
        %gather3A_159 = vector.shape_cast %broadcast_in_dim3A_158 : vector<16x1xi32> to vector<16xi32>
        %gather3A_160 = tpu.dynamic_gather %shift_left3A_108[%gather3A_159] in [0] : vector<16xi32>, vector<16xi32> -> vector<16xi32>
        %add3A_161 = arith.addi %gather3A_160, %and3A_2 : vector<16xi32>
        %mul3A_162 = arith.constant 16 : i32
        %mul3A_163 = arith.muli %scan3A_97, %mul3A_162 : i32
        %add3A_164 = vector.broadcast %mul3A_163 : i32 to vector<16xi32>
        %add3A_165 = arith.addi %add3A_164, %add3A_154 : vector<16xi32>
        %gather3A_166 = tpu.vector_load_idx %arg12[%add3A_165, %and3A_2] : memref<400x8xf32, #tpu.memory_space<vmem>>[vector<16xi32>, vector<16xi32>], vector<16xf32>,
        tpu.vector_store_idx %arg15[%gather3A_157, %add3A_161], %gather3A_166 {add = true} : memref<640x128xf32, #tpu.memory_space<vmem>>[vector<16xi32>, vector<16xi32>], vector<16xf32>,
        %add3A_167 = arith.constant 8 : i32
        %add3A_168 = vector.broadcast %add3A_167 : i32 to vector<16xi32>
        %add3A_169 = arith.addi %shift_right_arithmetic3A_7, %add3A_168 : vector<16xi32>
        %broadcast_in_dim3A_170 = vector.shape_cast %add3A_169 : vector<16xi32> to vector<16x1xi32>
        %gather3A_171 = vector.shape_cast %broadcast_in_dim3A_170 : vector<16x1xi32> to vector<16xi32>
        %gather3A_172 = tpu.dynamic_gather %shift_right_arithmetic3A_103[%gather3A_171] in [0] : vector<16xi32>, vector<16xi32> -> vector<16xi32>
        %broadcast_in_dim3A_173 = vector.shape_cast %add3A_169 : vector<16xi32> to vector<16x1xi32>
        %gather3A_174 = vector.shape_cast %broadcast_in_dim3A_173 : vector<16x1xi32> to vector<16xi32>
        %gather3A_175 = tpu.dynamic_gather %shift_left3A_108[%gather3A_174] in [0] : vector<16xi32>, vector<16xi32> -> vector<16xi32>
        %add3A_176 = arith.addi %gather3A_175, %and3A_2 : vector<16xi32>
        %mul3A_177 = arith.constant 16 : i32
        %mul3A_178 = arith.muli %scan3A_97, %mul3A_177 : i32
        %add3A_179 = vector.broadcast %mul3A_178 : i32 to vector<16xi32>
        %add3A_180 = arith.addi %add3A_179, %add3A_169 : vector<16xi32>
        %gather3A_181 = tpu.vector_load_idx %arg12[%add3A_180, %and3A_2] : memref<400x8xf32, #tpu.memory_space<vmem>>[vector<16xi32>, vector<16xi32>], vector<16xf32>,
        tpu.vector_store_idx %arg15[%gather3A_172, %add3A_176], %gather3A_181 {add = true} : memref<640x128xf32, #tpu.memory_space<vmem>>[vector<16xi32>, vector<16xi32>], vector<16xf32>,
        %add3A_182 = arith.constant 10 : i32
        %add3A_183 = vector.broadcast %add3A_182 : i32 to vector<16xi32>
        %add3A_184 = arith.addi %shift_right_arithmetic3A_7, %add3A_183 : vector<16xi32>
        %broadcast_in_dim3A_185 = vector.shape_cast %add3A_184 : vector<16xi32> to vector<16x1xi32>
        %gather3A_186 = vector.shape_cast %broadcast_in_dim3A_185 : vector<16x1xi32> to vector<16xi32>
        %gather3A_187 = tpu.dynamic_gather %shift_right_arithmetic3A_103[%gather3A_186] in [0] : vector<16xi32>, vector<16xi32> -> vector<16xi32>
        %broadcast_in_dim3A_188 = vector.shape_cast %add3A_184 : vector<16xi32> to vector<16x1xi32>
        %gather3A_189 = vector.shape_cast %broadcast_in_dim3A_188 : vector<16x1xi32> to vector<16xi32>
        %gather3A_190 = tpu.dynamic_gather %shift_left3A_108[%gather3A_189] in [0] : vector<16xi32>, vector<16xi32> -> vector<16xi32>
        %add3A_191 = arith.addi %gather3A_190, %and3A_2 : vector<16xi32>
        %mul3A_192 = arith.constant 16 : i32
        %mul3A_193 = arith.muli %scan3A_97, %mul3A_192 : i32
        %add3A_194 = vector.broadcast %mul3A_193 : i32 to vector<16xi32>
        %add3A_195 = arith.addi %add3A_194, %add3A_184 : vector<16xi32>
        %gather3A_196 = tpu.vector_load_idx %arg12[%add3A_195, %and3A_2] : memref<400x8xf32, #tpu.memory_space<vmem>>[vector<16xi32>, vector<16xi32>], vector<16xf32>,
        tpu.vector_store_idx %arg15[%gather3A_187, %add3A_191], %gather3A_196 {add = true} : memref<640x128xf32, #tpu.memory_space<vmem>>[vector<16xi32>, vector<16xi32>], vector<16xf32>,
        %add3A_197 = arith.constant 12 : i32
        %add3A_198 = vector.broadcast %add3A_197 : i32 to vector<16xi32>
        %add3A_199 = arith.addi %shift_right_arithmetic3A_7, %add3A_198 : vector<16xi32>
        %broadcast_in_dim3A_200 = vector.shape_cast %add3A_199 : vector<16xi32> to vector<16x1xi32>
        %gather3A_201 = vector.shape_cast %broadcast_in_dim3A_200 : vector<16x1xi32> to vector<16xi32>
        %gather3A_202 = tpu.dynamic_gather %shift_right_arithmetic3A_103[%gather3A_201] in [0] : vector<16xi32>, vector<16xi32> -> vector<16xi32>
        %broadcast_in_dim3A_203 = vector.shape_cast %add3A_199 : vector<16xi32> to vector<16x1xi32>
        %gather3A_204 = vector.shape_cast %broadcast_in_dim3A_203 : vector<16x1xi32> to vector<16xi32>
        %gather3A_205 = tpu.dynamic_gather %shift_left3A_108[%gather3A_204] in [0] : vector<16xi32>, vector<16xi32> -> vector<16xi32>
        %add3A_206 = arith.addi %gather3A_205, %and3A_2 : vector<16xi32>
        %mul3A_207 = arith.constant 16 : i32
        %mul3A_208 = arith.muli %scan3A_97, %mul3A_207 : i32
        %add3A_209 = vector.broadcast %mul3A_208 : i32 to vector<16xi32>
        %add3A_210 = arith.addi %add3A_209, %add3A_199 : vector<16xi32>
        %gather3A_211 = tpu.vector_load_idx %arg12[%add3A_210, %and3A_2] : memref<400x8xf32, #tpu.memory_space<vmem>>[vector<16xi32>, vector<16xi32>], vector<16xf32>,
        tpu.vector_store_idx %arg15[%gather3A_202, %add3A_206], %gather3A_211 {add = true} : memref<640x128xf32, #tpu.memory_space<vmem>>[vector<16xi32>, vector<16xi32>], vector<16xf32>,
        %add3A_212 = arith.constant 14 : i32
        %add3A_213 = vector.broadcast %add3A_212 : i32 to vector<16xi32>
        %add3A_214 = arith.addi %shift_right_arithmetic3A_7, %add3A_213 : vector<16xi32>
        %broadcast_in_dim3A_215 = vector.shape_cast %add3A_214 : vector<16xi32> to vector<16x1xi32>
        %gather3A_216 = vector.shape_cast %broadcast_in_dim3A_215 : vector<16x1xi32> to vector<16xi32>
        %gather3A_217 = tpu.dynamic_gather %shift_right_arithmetic3A_103[%gather3A_216] in [0] : vector<16xi32>, vector<16xi32> -> vector<16xi32>
        %broadcast_in_dim3A_218 = vector.shape_cast %add3A_214 : vector<16xi32> to vector<16x1xi32>
        %gather3A_219 = vector.shape_cast %broadcast_in_dim3A_218 : vector<16x1xi32> to vector<16xi32>
        %gather3A_220 = tpu.dynamic_gather %shift_left3A_108[%gather3A_219] in [0] : vector<16xi32>, vector<16xi32> -> vector<16xi32>
        %add3A_221 = arith.addi %gather3A_220, %and3A_2 : vector<16xi32>
        %mul3A_222 = arith.constant 16 : i32
        %mul3A_223 = arith.muli %scan3A_97, %mul3A_222 : i32
        %add3A_224 = vector.broadcast %mul3A_223 : i32 to vector<16xi32>
        %add3A_225 = arith.addi %add3A_224, %add3A_214 : vector<16xi32>
        %gather3A_226 = tpu.vector_load_idx %arg12[%add3A_225, %and3A_2] : memref<400x8xf32, #tpu.memory_space<vmem>>[vector<16xi32>, vector<16xi32>], vector<16xf32>,
        tpu.vector_store_idx %arg15[%gather3A_217, %add3A_221], %gather3A_226 {add = true} : memref<640x128xf32, #tpu.memory_space<vmem>>[vector<16xi32>, vector<16xi32>], vector<16xf32>,
      }
      %scan3A_96 = arith.constant 25 : i32
    }
    %scan3A_24 = arith.constant 200 : i32
    %dma_wait3A = arith.constant 0 : i32
    %dma_wait3A_25 = tpu.memref_slice %arg4[%dma_wait3A] : memref<320000xi32, #tpu.memory_space<hbm>> -> memref<400xi32, #tpu.memory_space<hbm>>
    %dma_wait3A_26 = arith.constant 0 : i32
    %dma_wait3A_27 = tpu.memref_slice %arg4[%dma_wait3A_26] : memref<320000xi32, #tpu.memory_space<hbm>> -> memref<400xi32, #tpu.memory_space<hbm>>
    tpu.wait_dma2 semaphore(%arg17 : memref<!tpu.dma_semaphore, #tpu.memory_space<semaphore_mem>>) src(%dma_wait3A_27 : memref<400xi32, #tpu.memory_space<hbm>>) dst(%arg9 : memref<400xi32, #tpu.memory_space<vmem>>)
    %dma_wait3A_28 = arith.constant 0 : i32
    %dma_wait3A_29 = arith.constant 0 : i32
    %dma_wait3A_30 = tpu.memref_slice %arg2[%dma_wait3A_28, %dma_wait3A_29] : memref<320000x128xf32, #tpu.memory_space<hbm>> -> memref<400x8xf32, #tpu.memory_space<hbm>>
    %dma_wait3A_31 = arith.constant 0 : i32
    %dma_wait3A_32 = arith.constant 0 : i32
    %dma_wait3A_33 = tpu.memref_slice %arg2[%dma_wait3A_31, %dma_wait3A_32] : memref<320000x128xf32, #tpu.memory_space<hbm>> -> memref<400x8xf32, #tpu.memory_space<hbm>>
    tpu.wait_dma2 semaphore(%arg18 : memref<!tpu.dma_semaphore, #tpu.memory_space<semaphore_mem>>) src(%dma_wait3A_33 : memref<400x8xf32, #tpu.memory_space<hbm>>) dst(%arg10 : memref<400x8xf32, #tpu.memory_space<vmem>>)
    %scan3A_34 = arith.constant 0 : i32
    %scan3A_35 = arith.constant 0 : i32
    %scan3A_36 = arith.constant 25 : i32
    %scan3A_37 = arith.addi %scan3A_35, %scan3A_36 : i32
    %scan3A_38 = arith.constant 1 : i32
    scf.for %scan3A_44 = %scan3A_35 to %scan3A_37 step %scan3A_38  : i32 {
      %mul3A_45 = arith.constant 10000 : i32
      %mul3A_46 = arith.muli %add3A, %mul3A_45 : i32
      %mul3A_47 = arith.constant 400 : i32
      %mul3A_48 = arith.muli %scan3A_44, %mul3A_47 : i32
      %add3A_49 = arith.addi %mul3A_46, %mul3A_48 : i32
      "tpu.region"() ({
        %run_scoped3A = tpu.sem_alloc : memref<!tpu.dma_semaphore, #tpu.memory_space<semaphore_mem>>
        %dma_start3A_56 = tpu.memref_slice %arg4[%add3A_49] : memref<320000xi32, #tpu.memory_space<hbm>> -> memref<400xi32, #tpu.memory_space<hbm>>
        %dma_start3A_57 = tpu.memref_slice %arg4[%add3A_49] : memref<320000xi32, #tpu.memory_space<hbm>> -> memref<400xi32, #tpu.memory_space<hbm>>
        tpu.enqueue_dma source(%dma_start3A_57 : memref<400xi32, #tpu.memory_space<hbm>>) target(%arg13 : memref<400xi32, #tpu.memory_space<vmem>>) target_semaphore(%run_scoped3A : memref<!tpu.dma_semaphore, #tpu.memory_space<semaphore_mem>>)
        %dma_wait3A_58 = tpu.memref_slice %arg4[%add3A_49] : memref<320000xi32, #tpu.memory_space<hbm>> -> memref<400xi32, #tpu.memory_space<hbm>>
        %dma_wait3A_59 = tpu.memref_slice %arg4[%add3A_49] : memref<320000xi32, #tpu.memory_space<hbm>> -> memref<400xi32, #tpu.memory_space<hbm>>
        tpu.wait_dma2 semaphore(%run_scoped3A : memref<!tpu.dma_semaphore, #tpu.memory_space<semaphore_mem>>) src(%dma_wait3A_59 : memref<400xi32, #tpu.memory_space<hbm>>) dst(%arg13 : memref<400xi32, #tpu.memory_space<vmem>>)
        tpu.yield
      }) : () -> ()
      "tpu.region"() ({
        %run_scoped3A = tpu.sem_alloc : memref<!tpu.dma_semaphore, #tpu.memory_space<semaphore_mem>>
        %dma_start3A_56 = tpu.memref_slice %arg3[%add3A_49] : memref<320000xf32, #tpu.memory_space<hbm>> -> memref<400xf32, #tpu.memory_space<hbm>>
        %dma_start3A_57 = tpu.memref_slice %arg3[%add3A_49] : memref<320000xf32, #tpu.memory_space<hbm>> -> memref<400xf32, #tpu.memory_space<hbm>>
        tpu.enqueue_dma source(%dma_start3A_57 : memref<400xf32, #tpu.memory_space<hbm>>) target(%arg14 : memref<400xf32, #tpu.memory_space<vmem>>) target_semaphore(%run_scoped3A : memref<!tpu.dma_semaphore, #tpu.memory_space<semaphore_mem>>)
        %dma_wait3A_58 = tpu.memref_slice %arg3[%add3A_49] : memref<320000xf32, #tpu.memory_space<hbm>> -> memref<400xf32, #tpu.memory_space<hbm>>
        %dma_wait3A_59 = tpu.memref_slice %arg3[%add3A_49] : memref<320000xf32, #tpu.memory_space<hbm>> -> memref<400xf32, #tpu.memory_space<hbm>>
        tpu.wait_dma2 semaphore(%run_scoped3A : memref<!tpu.dma_semaphore, #tpu.memory_space<semaphore_mem>>) src(%dma_wait3A_59 : memref<400xf32, #tpu.memory_space<hbm>>) dst(%arg14 : memref<400xf32, #tpu.memory_space<vmem>>)
        tpu.yield
      }) : () -> ()
      %scan3A_50 = arith.constant 0 : i32
      %scan3A_51 = arith.constant 0 : i32
      %scan3A_52 = arith.constant 25 : i32
      %scan3A_53 = arith.addi %scan3A_51, %scan3A_52 : i32
      %scan3A_54 = arith.constant 1 : i32
      scf.for %scan3A_56 = %scan3A_51 to %scan3A_53 step %scan3A_54  : i32 {
        %mul3A_57 = arith.constant 16 : i32
        %mul3A_58 = arith.muli %scan3A_56, %mul3A_57 : i32
        %get3A = arith.index_cast %mul3A_58 : i32 to index
        %get3A_59 = tpu.vector_load %arg13[%get3A] {strides = array<i32>} : memref<400xi32, #tpu.memory_space<vmem>>, vector<16xi32>,
        %mul3A_60 = arith.constant 16 : i32
        %mul3A_61 = arith.muli %scan3A_56, %mul3A_60 : i32
        %get3A_62 = arith.index_cast %mul3A_61 : i32 to index
        %get3A_63 = tpu.vector_load %arg14[%get3A_62] {strides = array<i32>} : memref<400xf32, #tpu.memory_space<vmem>>, vector<16xf32>,
        %shift_right_arithmetic3A_64 = arith.constant 6 : i32
        %shift_right_arithmetic3A_65 = vector.broadcast %shift_right_arithmetic3A_64 : i32 to vector<16xi32>
        %shift_right_arithmetic3A_66 = arith.shrsi %get3A_59, %shift_right_arithmetic3A_65 : vector<16xi32>
        %and3A_67 = arith.constant 63 : i32
        %and3A_68 = vector.broadcast %and3A_67 : i32 to vector<16xi32>
        %and3A_69 = arith.andi %get3A_59, %and3A_68 : vector<16xi32>
        %shift_left3A = arith.constant 1 : i32
        %shift_left3A_70 = vector.broadcast %shift_left3A : i32 to vector<16xi32>
        %shift_left3A_71 = arith.shli %and3A_69, %shift_left3A_70 : vector<16xi32>
        %add3A_72 = arith.constant 0 : i32
        %add3A_73 = vector.broadcast %add3A_72 : i32 to vector<16xi32>
        %add3A_74 = arith.addi %shift_right_arithmetic3A_10, %add3A_73 : vector<16xi32>
        %broadcast_in_dim3A = vector.shape_cast %add3A_74 : vector<16xi32> to vector<16x1xi32>
        %gather3A = vector.shape_cast %broadcast_in_dim3A : vector<16x1xi32> to vector<16xi32>
        %gather3A_75 = tpu.dynamic_gather %shift_right_arithmetic3A_66[%gather3A] in [0] : vector<16xi32>, vector<16xi32> -> vector<16xi32>
        %broadcast_in_dim3A_76 = vector.shape_cast %add3A_74 : vector<16xi32> to vector<16x1xi32>
        %gather3A_77 = vector.shape_cast %broadcast_in_dim3A_76 : vector<16x1xi32> to vector<16xi32>
        %gather3A_78 = tpu.dynamic_gather %shift_left3A_71[%gather3A_77] in [0] : vector<16xi32>, vector<16xi32> -> vector<16xi32>
        %add3A_79 = arith.addi %gather3A_78, %and3A_5 : vector<16xi32>
        %eq3A = arith.constant 0 : i32
        %eq3A_80 = vector.broadcast %eq3A : i32 to vector<16xi32>
        %eq3A_81 = arith.cmpi eq, %and3A_5, %eq3A_80 : vector<16xi32>
        %broadcast_in_dim3A_82 = vector.shape_cast %add3A_74 : vector<16xi32> to vector<16x1xi32>
        %gather3A_83 = vector.shape_cast %broadcast_in_dim3A_82 : vector<16x1xi32> to vector<16xi32>
        %gather3A_84 = tpu.dynamic_gather %get3A_63[%gather3A_83] in [0] : vector<16xf32>, vector<16xi32> -> vector<16xf32>
        %jit3A = arith.constant 1.000000e+00 : f32
        %broadcast_in_dim3A_85 = vector.broadcast %jit3A : f32 to vector<16xf32>
        %select_n3A = arith.select %eq3A_81, %gather3A_84, %broadcast_in_dim3A_85 : vector<16xi1>, vector<16xf32>
        tpu.vector_store_idx %arg16[%gather3A_75, %add3A_79], %select_n3A {add = true} : memref<160x128xf32, #tpu.memory_space<vmem>>[vector<16xi32>, vector<16xi32>], vector<16xf32>,
        %add3A_86 = arith.constant 8 : i32
        %add3A_87 = vector.broadcast %add3A_86 : i32 to vector<16xi32>
        %add3A_88 = arith.addi %shift_right_arithmetic3A_10, %add3A_87 : vector<16xi32>
        %broadcast_in_dim3A_89 = vector.shape_cast %add3A_88 : vector<16xi32> to vector<16x1xi32>
        %gather3A_90 = vector.shape_cast %broadcast_in_dim3A_89 : vector<16x1xi32> to vector<16xi32>
        %gather3A_91 = tpu.dynamic_gather %shift_right_arithmetic3A_66[%gather3A_90] in [0] : vector<16xi32>, vector<16xi32> -> vector<16xi32>
        %broadcast_in_dim3A_92 = vector.shape_cast %add3A_88 : vector<16xi32> to vector<16x1xi32>
        %gather3A_93 = vector.shape_cast %broadcast_in_dim3A_92 : vector<16x1xi32> to vector<16xi32>
        %gather3A_94 = tpu.dynamic_gather %shift_left3A_71[%gather3A_93] in [0] : vector<16xi32>, vector<16xi32> -> vector<16xi32>
        %add3A_95 = arith.addi %gather3A_94, %and3A_5 : vector<16xi32>
        %eq3A_96 = arith.constant 0 : i32
        %eq3A_97 = vector.broadcast %eq3A_96 : i32 to vector<16xi32>
        %eq3A_98 = arith.cmpi eq, %and3A_5, %eq3A_97 : vector<16xi32>
        %broadcast_in_dim3A_99 = vector.shape_cast %add3A_88 : vector<16xi32> to vector<16x1xi32>
        %gather3A_100 = vector.shape_cast %broadcast_in_dim3A_99 : vector<16x1xi32> to vector<16xi32>
        %gather3A_101 = tpu.dynamic_gather %get3A_63[%gather3A_100] in [0] : vector<16xf32>, vector<16xi32> -> vector<16xf32>
        %jit3A_102 = arith.constant 1.000000e+00 : f32
        %broadcast_in_dim3A_103 = vector.broadcast %jit3A_102 : f32 to vector<16xf32>
        %select_n3A_104 = arith.select %eq3A_98, %gather3A_101, %broadcast_in_dim3A_103 : vector<16xi1>, vector<16xf32>
        tpu.vector_store_idx %arg16[%gather3A_91, %add3A_95], %select_n3A_104 {add = true} : memref<160x128xf32, #tpu.memory_space<vmem>>[vector<16xi32>, vector<16xi32>], vector<16xf32>,
      }
      %scan3A_55 = arith.constant 25 : i32
    }
    %scan3A_39 = arith.constant 25 : i32
    %mul3A_40 = arith.constant 640 : i32
    %mul3A_41 = arith.muli %add3A, %mul3A_40 : i32
    "tpu.region"() ({
      %run_scoped3A = tpu.sem_alloc : memref<!tpu.dma_semaphore, #tpu.memory_space<semaphore_mem>>
      %dma_start3A_44 = arith.constant 0 : i32
      %dma_start3A_45 = tpu.memref_slice %arg7[%mul3A_41, %dma_start3A_44] : memref<20480x128xf32, #tpu.memory_space<hbm>> -> memref<640x128xf32, #tpu.memory_space<hbm>>
      %dma_start3A_46 = arith.constant 0 : i32
      %dma_start3A_47 = tpu.memref_slice %arg7[%mul3A_41, %dma_start3A_46] : memref<20480x128xf32, #tpu.memory_space<hbm>> -> memref<640x128xf32, #tpu.memory_space<hbm>>
      tpu.enqueue_dma source(%arg15 : memref<640x128xf32, #tpu.memory_space<vmem>>) target(%dma_start3A_47 : memref<640x128xf32, #tpu.memory_space<hbm>>) target_semaphore(%run_scoped3A : memref<!tpu.dma_semaphore, #tpu.memory_space<semaphore_mem>>)
      %dma_wait3A_48 = arith.constant 0 : i32
      %dma_wait3A_49 = tpu.memref_slice %arg7[%mul3A_41, %dma_wait3A_48] : memref<20480x128xf32, #tpu.memory_space<hbm>> -> memref<640x128xf32, #tpu.memory_space<hbm>>
      %dma_wait3A_50 = arith.constant 0 : i32
      %dma_wait3A_51 = tpu.memref_slice %arg7[%mul3A_41, %dma_wait3A_50] : memref<20480x128xf32, #tpu.memory_space<hbm>> -> memref<640x128xf32, #tpu.memory_space<hbm>>
      tpu.wait_dma2 semaphore(%run_scoped3A : memref<!tpu.dma_semaphore, #tpu.memory_space<semaphore_mem>>) src(%arg15 : memref<640x128xf32, #tpu.memory_space<vmem>>) dst(%dma_wait3A_51 : memref<640x128xf32, #tpu.memory_space<hbm>>)
      tpu.yield
    }) : () -> ()
    %mul3A_42 = arith.constant 160 : i32
    %mul3A_43 = arith.muli %add3A, %mul3A_42 : i32
    "tpu.region"() ({
      %run_scoped3A = tpu.sem_alloc : memref<!tpu.dma_semaphore, #tpu.memory_space<semaphore_mem>>
      %dma_start3A_44 = arith.constant 0 : i32
      %dma_start3A_45 = tpu.memref_slice %arg8[%mul3A_43, %dma_start3A_44] : memref<5120x128xf32, #tpu.memory_space<hbm>> -> memref<160x128xf32, #tpu.memory_space<hbm>>
      %dma_start3A_46 = arith.constant 0 : i32
      %dma_start3A_47 = tpu.memref_slice %arg8[%mul3A_43, %dma_start3A_46] : memref<5120x128xf32, #tpu.memory_space<hbm>> -> memref<160x128xf32, #tpu.memory_space<hbm>>
      tpu.enqueue_dma source(%arg16 : memref<160x128xf32, #tpu.memory_space<vmem>>) target(%dma_start3A_47 : memref<160x128xf32, #tpu.memory_space<hbm>>) target_semaphore(%run_scoped3A : memref<!tpu.dma_semaphore, #tpu.memory_space<semaphore_mem>>)
      %dma_wait3A_48 = arith.constant 0 : i32
      %dma_wait3A_49 = tpu.memref_slice %arg8[%mul3A_43, %dma_wait3A_48] : memref<5120x128xf32, #tpu.memory_space<hbm>> -> memref<160x128xf32, #tpu.memory_space<hbm>>
      %dma_wait3A_50 = arith.constant 0 : i32
      %dma_wait3A_51 = tpu.memref_slice %arg8[%mul3A_43, %dma_wait3A_50] : memref<5120x128xf32, #tpu.memory_space<hbm>> -> memref<160x128xf32, #tpu.memory_space<hbm>>
      tpu.wait_dma2 semaphore(%run_scoped3A : memref<!tpu.dma_semaphore, #tpu.memory_space<semaphore_mem>>) src(%arg16 : memref<160x128xf32, #tpu.memory_space<vmem>>) dst(%dma_wait3A_51 : memref<160x128xf32, #tpu.memory_space<hbm>>)
      tpu.yield
    }) : () -> ()
    return
  }
}

module attributes {stable_mosaic.version = 14 : i64} {
  func.func @_edge_body(%arg0: i32, %arg1: memref<640x16xf32, #tpu.memory_space<vmem>>, %arg2: memref<640x128xf32, #tpu.memory_space<vmem>>, %arg3: memref<640x128xf32, #tpu.memory_space<vmem>>, %arg4: memref<16x256xf32, #tpu.memory_space<vmem>>, %arg5: memref<128x256xf32, #tpu.memory_space<vmem>>, %arg6: memref<128x256xf32, #tpu.memory_space<vmem>>, %arg7: memref<1x256xf32, #tpu.memory_space<vmem>>, %arg8: memref<128x128xf32, #tpu.memory_space<vmem>>, %arg9: memref<1x128xf32, #tpu.memory_space<vmem>>, %arg10: memref<128x1xf32, #tpu.memory_space<vmem>>, %arg11: memref<1x1xf32, #tpu.memory_space<vmem>>, %arg12: memref<640x128xf32, #tpu.memory_space<vmem>>, %arg13: memref<640x128xf32, #tpu.memory_space<vmem>>, %arg14: memref<640x1xf32, #tpu.memory_space<vmem>>) attributes {dimension_semantics = [#tpu.dimension_semantics<arbitrary>], iteration_bounds = array<i64: 500>, scalar_prefetch = 0 : i64, scratch_operands = 0 : i64, tpu.core_type = #tpu.core_type<tc>, window_params = [{transform_indices = @transform_0, window_bounds = array<i64: 640, 16>}, {transform_indices = @transform_1, window_bounds = array<i64: 640, 128>}, {transform_indices = @transform_2, window_bounds = array<i64: 640, 128>}, {pipeline_mode = #tpu.pipeline_mode<synchronous>, transform_indices = @transform_3, window_bounds = array<i64: 16, 256>}, {pipeline_mode = #tpu.pipeline_mode<synchronous>, transform_indices = @transform_4, window_bounds = array<i64: 128, 256>}, {pipeline_mode = #tpu.pipeline_mode<synchronous>, transform_indices = @transform_5, window_bounds = array<i64: 128, 256>}, {pipeline_mode = #tpu.pipeline_mode<synchronous>, transform_indices = @transform_6, window_bounds = array<i64: 1, 256>}, {pipeline_mode = #tpu.pipeline_mode<synchronous>, transform_indices = @transform_7, window_bounds = array<i64: 128, 128>}, {pipeline_mode = #tpu.pipeline_mode<synchronous>, transform_indices = @transform_8, window_bounds = array<i64: 1, 128>}, {pipeline_mode = #tpu.pipeline_mode<synchronous>, transform_indices = @transform_9, window_bounds = array<i64: 128, 1>}, {pipeline_mode = #tpu.pipeline_mode<synchronous>, transform_indices = @transform_10, window_bounds = array<i64: 1, 1>}, {transform_indices = @transform_11, window_bounds = array<i64: 640, 128>}, {transform_indices = @transform_12, window_bounds = array<i64: 640, 128>}, {transform_indices = @transform_13, window_bounds = array<i64: 640, 1>}]} {
    %get3A = arith.constant 0 : index
    %get3A_0 = arith.constant 0 : index
    %get3A_1 = vector.load %arg1[%get3A, %get3A_0] : memref<640x16xf32, #tpu.memory_space<vmem>>, vector<640x16xf32>
    %get3A_2 = arith.constant 0 : index
    %get3A_3 = arith.constant 0 : index
    %get3A_4 = vector.load %arg4[%get3A_2, %get3A_3] : memref<16x256xf32, #tpu.memory_space<vmem>>, vector<16x256xf32>
    %dot_general3A = arith.constant dense<0.000000e+00> : vector<640x256xf32>
    %dot_general3A_5 = tpu.matmul %get3A_1, %get3A_4, %dot_general3A {dimension_numbers = #tpu.dot_dimension_numbers<[1], [0], [0], [1], [0, 0, 1, 1], [], []>, transpose_lhs_hint = false} : vector<640x16xf32>, vector<16x256xf32>, vector<640x256xf32> -> vector<640x256xf32>
    %get3A_6 = arith.constant 0 : index
    %get3A_7 = arith.constant 0 : index
    %get3A_8 = vector.load %arg2[%get3A_6, %get3A_7] : memref<640x128xf32, #tpu.memory_space<vmem>>, vector<640x128xf32>
    %get3A_9 = arith.constant 0 : index
    %get3A_10 = arith.constant 0 : index
    %get3A_11 = vector.load %arg5[%get3A_9, %get3A_10] : memref<128x256xf32, #tpu.memory_space<vmem>>, vector<128x256xf32>
    %dot_general3A_12 = arith.constant dense<0.000000e+00> : vector<640x256xf32>
    %dot_general3A_13 = tpu.matmul %get3A_8, %get3A_11, %dot_general3A_12 {dimension_numbers = #tpu.dot_dimension_numbers<[1], [0], [0], [1], [0, 0, 1, 1], [], []>, transpose_lhs_hint = false} : vector<640x128xf32>, vector<128x256xf32>, vector<640x256xf32> -> vector<640x256xf32>
    %add3A = arith.addf %dot_general3A_5, %dot_general3A_13 : vector<640x256xf32>
    %get3A_14 = arith.constant 0 : index
    %get3A_15 = arith.constant 0 : index
    %get3A_16 = vector.load %arg3[%get3A_14, %get3A_15] : memref<640x128xf32, #tpu.memory_space<vmem>>, vector<640x128xf32>
    %get3A_17 = arith.constant 0 : index
    %get3A_18 = arith.constant 0 : index
    %get3A_19 = vector.load %arg6[%get3A_17, %get3A_18] : memref<128x256xf32, #tpu.memory_space<vmem>>, vector<128x256xf32>
    %dot_general3A_20 = arith.constant dense<0.000000e+00> : vector<640x256xf32>
    %dot_general3A_21 = tpu.matmul %get3A_16, %get3A_19, %dot_general3A_20 {dimension_numbers = #tpu.dot_dimension_numbers<[1], [0], [0], [1], [0, 0, 1, 1], [], []>, transpose_lhs_hint = false} : vector<640x128xf32>, vector<128x256xf32>, vector<640x256xf32> -> vector<640x256xf32>
    %add3A_22 = arith.addf %add3A, %dot_general3A_21 : vector<640x256xf32>
    %get3A_23 = arith.constant 0 : index
    %get3A_24 = arith.constant 0 : index
    %get3A_25 = vector.load %arg7[%get3A_23, %get3A_24] : memref<1x256xf32, #tpu.memory_space<vmem>>, vector<1x256xf32>
    %add3A_26 = vector.broadcast %get3A_25 : vector<1x256xf32> to vector<640x256xf32>
    %add3A_27 = arith.addf %add3A_22, %add3A_26 : vector<640x256xf32>
    %max3A = arith.constant 0.000000e+00 : f32
    %max3A_28 = vector.broadcast %max3A : f32 to vector<640x256xf32>
    %max3A_29 = arith.maximumf %add3A_27, %max3A_28 : vector<640x256xf32>
    %slice3A = vector.extract_strided_slice %max3A_29 {offsets = [0, 0], sizes = [640, 128], strides = [1, 1]} : vector<640x256xf32> to vector<640x128xf32>
    %slice3A_30 = vector.extract_strided_slice %max3A_29 {offsets = [0, 128], sizes = [640, 128], strides = [1, 1]} : vector<640x256xf32> to vector<640x128xf32>
    %get3A_31 = arith.constant 0 : index
    %get3A_32 = arith.constant 0 : index
    %get3A_33 = vector.load %arg8[%get3A_31, %get3A_32] : memref<128x128xf32, #tpu.memory_space<vmem>>, vector<128x128xf32>
    %dot_general3A_34 = arith.constant dense<0.000000e+00> : vector<640x128xf32>
    %dot_general3A_35 = tpu.matmul %slice3A, %get3A_33, %dot_general3A_34 {dimension_numbers = #tpu.dot_dimension_numbers<[1], [0], [0], [1], [0, 0, 1, 1], [], []>, transpose_lhs_hint = false} : vector<640x128xf32>, vector<128x128xf32>, vector<640x128xf32> -> vector<640x128xf32>
    %get3A_36 = arith.constant 0 : index
    %get3A_37 = arith.constant 0 : index
    %get3A_38 = vector.load %arg9[%get3A_36, %get3A_37] : memref<1x128xf32, #tpu.memory_space<vmem>>, vector<1x128xf32>
    %add3A_39 = vector.broadcast %get3A_38 : vector<1x128xf32> to vector<640x128xf32>
    %add3A_40 = arith.addf %dot_general3A_35, %add3A_39 : vector<640x128xf32>
    %get3A_41 = arith.constant 0 : index
    %get3A_42 = arith.constant 0 : index
    %get3A_43 = vector.load %arg10[%get3A_41, %get3A_42] : memref<128x1xf32, #tpu.memory_space<vmem>>, vector<128x1xf32>
    %dot_general3A_44 = arith.constant dense<0.000000e+00> : vector<640x1xf32>
    %dot_general3A_45 = tpu.matmul %slice3A_30, %get3A_43, %dot_general3A_44 {dimension_numbers = #tpu.dot_dimension_numbers<[1], [0], [0], [1], [0, 0, 1, 1], [], []>, transpose_lhs_hint = false} : vector<640x128xf32>, vector<128x1xf32>, vector<640x1xf32> -> vector<640x1xf32>
    %get3A_46 = arith.constant 0 : index
    %get3A_47 = arith.constant 0 : index
    %get3A_48 = vector.load %arg11[%get3A_46, %get3A_47] : memref<1x1xf32, #tpu.memory_space<vmem>>, vector<1x1xf32>
    %add3A_49 = vector.broadcast %get3A_48 : vector<1x1xf32> to vector<640x1xf32>
    %add3A_50 = arith.addf %dot_general3A_45, %add3A_49 : vector<640x1xf32>
    %exp3A = math.exp %add3A_50 : vector<640x1xf32>
    %swap3A = arith.constant 0 : index
    %swap3A_51 = arith.constant 0 : index
    %swap3A_52 = vector.load %arg12[%swap3A, %swap3A_51] : memref<640x128xf32, #tpu.memory_space<vmem>>, vector<640x128xf32>
    tpu.vector_store %arg12[%swap3A, %swap3A_51], %add3A_40 {strides = array<i32>} : memref<640x128xf32, #tpu.memory_space<vmem>>, vector<640x128xf32>,
    %mul3A = vector.broadcast %exp3A : vector<640x1xf32> to vector<640x128xf32>
    %mul3A_53 = arith.mulf %add3A_40, %mul3A : vector<640x128xf32>
    %swap3A_54 = arith.constant 0 : index
    %swap3A_55 = arith.constant 0 : index
    %swap3A_56 = vector.load %arg13[%swap3A_54, %swap3A_55] : memref<640x128xf32, #tpu.memory_space<vmem>>, vector<640x128xf32>
    tpu.vector_store %arg13[%swap3A_54, %swap3A_55], %mul3A_53 {strides = array<i32>} : memref<640x128xf32, #tpu.memory_space<vmem>>, vector<640x128xf32>,
    %swap3A_57 = arith.constant 0 : index
    %swap3A_58 = arith.constant 0 : index
    %swap3A_59 = vector.load %arg14[%swap3A_57, %swap3A_58] : memref<640x1xf32, #tpu.memory_space<vmem>>, vector<640x1xf32>
    tpu.vector_store %arg14[%swap3A_57, %swap3A_58], %exp3A {strides = array<i32>} : memref<640x1xf32, #tpu.memory_space<vmem>>, vector<640x1xf32>,
    return
  }
  func.func @transform_0(%arg0: i32) -> (i32, i32) {
    %c0_i32 = arith.constant 0 : i32
    %c0_i32_0 = arith.constant 0 : i32
    return %arg0, %c0_i32 : i32, i32
  }
  func.func @transform_1(%arg0: i32) -> (i32, i32) {
    %c0_i32 = arith.constant 0 : i32
    %c0_i32_0 = arith.constant 0 : i32
    return %arg0, %c0_i32 : i32, i32
  }
  func.func @transform_2(%arg0: i32) -> (i32, i32) {
    %c0_i32 = arith.constant 0 : i32
    %c0_i32_0 = arith.constant 0 : i32
    return %arg0, %c0_i32 : i32, i32
  }
  func.func @transform_3(%arg0: i32) -> (i32, i32) {
    %c0_i32 = arith.constant 0 : i32
    %c0_i32_0 = arith.constant 0 : i32
    %c0_i32_1 = arith.constant 0 : i32
    return %c0_i32, %c0_i32_0 : i32, i32
  }
  func.func @transform_4(%arg0: i32) -> (i32, i32) {
    %c0_i32 = arith.constant 0 : i32
    %c0_i32_0 = arith.constant 0 : i32
    %c0_i32_1 = arith.constant 0 : i32
    return %c0_i32, %c0_i32_0 : i32, i32
  }
  func.func @transform_5(%arg0: i32) -> (i32, i32) {
    %c0_i32 = arith.constant 0 : i32
    %c0_i32_0 = arith.constant 0 : i32
    %c0_i32_1 = arith.constant 0 : i32
    return %c0_i32, %c0_i32_0 : i32, i32
  }
  func.func @transform_6(%arg0: i32) -> (i32, i32) {
    %c0_i32 = arith.constant 0 : i32
    %c0_i32_0 = arith.constant 0 : i32
    %c0_i32_1 = arith.constant 0 : i32
    return %c0_i32, %c0_i32_0 : i32, i32
  }
  func.func @transform_7(%arg0: i32) -> (i32, i32) {
    %c0_i32 = arith.constant 0 : i32
    %c0_i32_0 = arith.constant 0 : i32
    %c0_i32_1 = arith.constant 0 : i32
    return %c0_i32, %c0_i32_0 : i32, i32
  }
  func.func @transform_8(%arg0: i32) -> (i32, i32) {
    %c0_i32 = arith.constant 0 : i32
    %c0_i32_0 = arith.constant 0 : i32
    %c0_i32_1 = arith.constant 0 : i32
    return %c0_i32, %c0_i32_0 : i32, i32
  }
  func.func @transform_9(%arg0: i32) -> (i32, i32) {
    %c0_i32 = arith.constant 0 : i32
    %c0_i32_0 = arith.constant 0 : i32
    %c0_i32_1 = arith.constant 0 : i32
    return %c0_i32, %c0_i32_0 : i32, i32
  }
  func.func @transform_10(%arg0: i32) -> (i32, i32) {
    %c0_i32 = arith.constant 0 : i32
    %c0_i32_0 = arith.constant 0 : i32
    %c0_i32_1 = arith.constant 0 : i32
    return %c0_i32, %c0_i32_0 : i32, i32
  }
  func.func @transform_11(%arg0: i32) -> (i32, i32) {
    %c0_i32 = arith.constant 0 : i32
    %c0_i32_0 = arith.constant 0 : i32
    return %arg0, %c0_i32 : i32, i32
  }
  func.func @transform_12(%arg0: i32) -> (i32, i32) {
    %c0_i32 = arith.constant 0 : i32
    %c0_i32_0 = arith.constant 0 : i32
    return %arg0, %c0_i32 : i32, i32
  }
  func.func @transform_13(%arg0: i32) -> (i32, i32) {
    %c0_i32 = arith.constant 0 : i32
    %c0_i32_0 = arith.constant 0 : i32
    return %arg0, %c0_i32 : i32, i32
  }
}

module attributes {stable_mosaic.version = 14 : i64} {
  func.func @_node_body(%arg0: i32, %arg1: memref<2560x128xf32, #tpu.memory_space<vmem>>, %arg2: memref<2560x2xf32, #tpu.memory_space<vmem>>, %arg3: memref<2560x128xf32, #tpu.memory_space<vmem>>, %arg4: memref<128x128xf32, #tpu.memory_space<vmem>>, %arg5: memref<128x128xf32, #tpu.memory_space<vmem>>, %arg6: memref<1x128xf32, #tpu.memory_space<vmem>>, %arg7: memref<128x128xf32, #tpu.memory_space<vmem>>, %arg8: memref<1x128xf32, #tpu.memory_space<vmem>>, %arg9: memref<2560x128xf32, #tpu.memory_space<vmem>>) attributes {dimension_semantics = [#tpu.dimension_semantics<arbitrary>], iteration_bounds = array<i64: 4>, scalar_prefetch = 0 : i64, scratch_operands = 0 : i64, tpu.core_type = #tpu.core_type<tc>, window_params = [{transform_indices = @transform_0, window_bounds = array<i64: 2560, 128>}, {transform_indices = @transform_1, window_bounds = array<i64: 2560, 2>}, {transform_indices = @transform_2, window_bounds = array<i64: 2560, 128>}, {pipeline_mode = #tpu.pipeline_mode<synchronous>, transform_indices = @transform_3, window_bounds = array<i64: 128, 128>}, {pipeline_mode = #tpu.pipeline_mode<synchronous>, transform_indices = @transform_4, window_bounds = array<i64: 128, 128>}, {pipeline_mode = #tpu.pipeline_mode<synchronous>, transform_indices = @transform_5, window_bounds = array<i64: 1, 128>}, {pipeline_mode = #tpu.pipeline_mode<synchronous>, transform_indices = @transform_6, window_bounds = array<i64: 128, 128>}, {pipeline_mode = #tpu.pipeline_mode<synchronous>, transform_indices = @transform_7, window_bounds = array<i64: 1, 128>}, {transform_indices = @transform_8, window_bounds = array<i64: 2560, 128>}]} {
    %get3A = arith.constant 0 : index
    %get3A_0 = arith.constant 0 : index
    %get3A_1 = vector.load %arg1[%get3A, %get3A_0] : memref<2560x128xf32, #tpu.memory_space<vmem>>, vector<2560x128xf32>
    %get3A_2 = arith.constant 0 : index
    %get3A_3 = arith.constant 0 : index
    %get3A_4 = vector.load %arg2[%get3A_2, %get3A_3] : memref<2560x2xf32, #tpu.memory_space<vmem>>, vector<2560x2xf32>
    %slice3A = vector.extract_strided_slice %get3A_4 {offsets = [0, 0], sizes = [2560, 1], strides = [1, 1]} : vector<2560x2xf32> to vector<2560x1xf32>
    %slice3A_5 = vector.extract_strided_slice %get3A_4 {offsets = [0, 1], sizes = [2560, 1], strides = [1, 1]} : vector<2560x2xf32> to vector<2560x1xf32>
    %max3A = arith.constant 1.000000e-16 : f32
    %max3A_6 = vector.broadcast %max3A : f32 to vector<2560x1xf32>
    %max3A_7 = arith.maximumf %slice3A, %max3A_6 : vector<2560x1xf32>
    %div3A = vector.broadcast %max3A_7 : vector<2560x1xf32> to vector<2560x128xf32>
    %div3A_8 = arith.divf %get3A_1, %div3A : vector<2560x128xf32>
    %max3A_9 = arith.constant 1.000000e+00 : f32
    %max3A_10 = vector.broadcast %max3A_9 : f32 to vector<2560x1xf32>
    %max3A_11 = arith.maximumf %slice3A_5, %max3A_10 : vector<2560x1xf32>
    %div3A_12 = vector.broadcast %max3A_11 : vector<2560x1xf32> to vector<2560x128xf32>
    %div3A_13 = arith.divf %div3A_8, %div3A_12 : vector<2560x128xf32>
    %get3A_14 = arith.constant 0 : index
    %get3A_15 = arith.constant 0 : index
    %get3A_16 = vector.load %arg4[%get3A_14, %get3A_15] : memref<128x128xf32, #tpu.memory_space<vmem>>, vector<128x128xf32>
    %dot_general3A = arith.constant dense<0.000000e+00> : vector<2560x128xf32>
    %dot_general3A_17 = tpu.matmul %div3A_13, %get3A_16, %dot_general3A {dimension_numbers = #tpu.dot_dimension_numbers<[1], [0], [0], [1], [0, 0, 1, 1], [], []>, transpose_lhs_hint = false} : vector<2560x128xf32>, vector<128x128xf32>, vector<2560x128xf32> -> vector<2560x128xf32>
    %get3A_18 = arith.constant 0 : index
    %get3A_19 = arith.constant 0 : index
    %get3A_20 = vector.load %arg3[%get3A_18, %get3A_19] : memref<2560x128xf32, #tpu.memory_space<vmem>>, vector<2560x128xf32>
    %get3A_21 = arith.constant 0 : index
    %get3A_22 = arith.constant 0 : index
    %get3A_23 = vector.load %arg5[%get3A_21, %get3A_22] : memref<128x128xf32, #tpu.memory_space<vmem>>, vector<128x128xf32>
    %dot_general3A_24 = arith.constant dense<0.000000e+00> : vector<2560x128xf32>
    %dot_general3A_25 = tpu.matmul %get3A_20, %get3A_23, %dot_general3A_24 {dimension_numbers = #tpu.dot_dimension_numbers<[1], [0], [0], [1], [0, 0, 1, 1], [], []>, transpose_lhs_hint = false} : vector<2560x128xf32>, vector<128x128xf32>, vector<2560x128xf32> -> vector<2560x128xf32>
    %add3A = arith.addf %dot_general3A_17, %dot_general3A_25 : vector<2560x128xf32>
    %get3A_26 = arith.constant 0 : index
    %get3A_27 = arith.constant 0 : index
    %get3A_28 = vector.load %arg6[%get3A_26, %get3A_27] : memref<1x128xf32, #tpu.memory_space<vmem>>, vector<1x128xf32>
    %add3A_29 = vector.broadcast %get3A_28 : vector<1x128xf32> to vector<2560x128xf32>
    %add3A_30 = arith.addf %add3A, %add3A_29 : vector<2560x128xf32>
    %max3A_31 = arith.constant 0.000000e+00 : f32
    %max3A_32 = vector.broadcast %max3A_31 : f32 to vector<2560x128xf32>
    %max3A_33 = arith.maximumf %add3A_30, %max3A_32 : vector<2560x128xf32>
    %get3A_34 = arith.constant 0 : index
    %get3A_35 = arith.constant 0 : index
    %get3A_36 = vector.load %arg7[%get3A_34, %get3A_35] : memref<128x128xf32, #tpu.memory_space<vmem>>, vector<128x128xf32>
    %dot_general3A_37 = arith.constant dense<0.000000e+00> : vector<2560x128xf32>
    %dot_general3A_38 = tpu.matmul %max3A_33, %get3A_36, %dot_general3A_37 {dimension_numbers = #tpu.dot_dimension_numbers<[1], [0], [0], [1], [0, 0, 1, 1], [], []>, transpose_lhs_hint = false} : vector<2560x128xf32>, vector<128x128xf32>, vector<2560x128xf32> -> vector<2560x128xf32>
    %get3A_39 = arith.constant 0 : index
    %get3A_40 = arith.constant 0 : index
    %get3A_41 = vector.load %arg8[%get3A_39, %get3A_40] : memref<1x128xf32, #tpu.memory_space<vmem>>, vector<1x128xf32>
    %add3A_42 = vector.broadcast %get3A_41 : vector<1x128xf32> to vector<2560x128xf32>
    %add3A_43 = arith.addf %dot_general3A_38, %add3A_42 : vector<2560x128xf32>
    %swap3A = arith.constant 0 : index
    %swap3A_44 = arith.constant 0 : index
    %swap3A_45 = vector.load %arg9[%swap3A, %swap3A_44] : memref<2560x128xf32, #tpu.memory_space<vmem>>, vector<2560x128xf32>
    tpu.vector_store %arg9[%swap3A, %swap3A_44], %add3A_43 {strides = array<i32>} : memref<2560x128xf32, #tpu.memory_space<vmem>>, vector<2560x128xf32>,
    return
  }
  func.func @transform_0(%arg0: i32) -> (i32, i32) {
    %c0_i32 = arith.constant 0 : i32
    %c0_i32_0 = arith.constant 0 : i32
    return %arg0, %c0_i32 : i32, i32
  }
  func.func @transform_1(%arg0: i32) -> (i32, i32) {
    %c0_i32 = arith.constant 0 : i32
    %c0_i32_0 = arith.constant 0 : i32
    return %arg0, %c0_i32 : i32, i32
  }
  func.func @transform_2(%arg0: i32) -> (i32, i32) {
    %c0_i32 = arith.constant 0 : i32
    %c0_i32_0 = arith.constant 0 : i32
    return %arg0, %c0_i32 : i32, i32
  }
  func.func @transform_3(%arg0: i32) -> (i32, i32) {
    %c0_i32 = arith.constant 0 : i32
    %c0_i32_0 = arith.constant 0 : i32
    %c0_i32_1 = arith.constant 0 : i32
    return %c0_i32, %c0_i32_0 : i32, i32
  }
  func.func @transform_4(%arg0: i32) -> (i32, i32) {
    %c0_i32 = arith.constant 0 : i32
    %c0_i32_0 = arith.constant 0 : i32
    %c0_i32_1 = arith.constant 0 : i32
    return %c0_i32, %c0_i32_0 : i32, i32
  }
  func.func @transform_5(%arg0: i32) -> (i32, i32) {
    %c0_i32 = arith.constant 0 : i32
    %c0_i32_0 = arith.constant 0 : i32
    %c0_i32_1 = arith.constant 0 : i32
    return %c0_i32, %c0_i32_0 : i32, i32
  }
  func.func @transform_6(%arg0: i32) -> (i32, i32) {
    %c0_i32 = arith.constant 0 : i32
    %c0_i32_0 = arith.constant 0 : i32
    %c0_i32_1 = arith.constant 0 : i32
    return %c0_i32, %c0_i32_0 : i32, i32
  }
  func.func @transform_7(%arg0: i32) -> (i32, i32) {
    %c0_i32 = arith.constant 0 : i32
    %c0_i32_0 = arith.constant 0 : i32
    %c0_i32_1 = arith.constant 0 : i32
    return %c0_i32, %c0_i32_0 : i32, i32
  }
  func.func @transform_8(%arg0: i32) -> (i32, i32) {
    %c0_i32 = arith.constant 0 : i32
    %c0_i32_0 = arith.constant 0 : i32
    return %arg0, %c0_i32 : i32, i32
  }
}

</mosaic_0001>

<sc_bundles>
// kernel: kernel.6.cloned.1.call-start
scs
__scs_entry_jumppad:
0x0: {  	(pc) =	sbr.rel $0x88, $3  }
0x1: {  	(tag) =	ssettag $0x0;
	lr =	simm.s32 $0x1  }
0x2: {  	[smem:$0x3F92] =	sst lr;
	_ =	strace $0xD0000000  }
0x3: {  	_ = 	snop  }
0x4: {  	_ = 	snop  }
0x5: {  	_ = 	snop  }
0x6: {  	_ = 	snop  }
0x7: {  	_ = 	snop  }
__scs_overlays_trampoline_lowered:
0x8: {  	[smem:$0x3FA1] =	sst s0  }
0x9: {  	[smem:$0x3FA2] =	sst s1  }
0xa: {  	[smem:$0x3FA3] =	sst s2  }
0xb: {  	[smem:$0x3FA4] =	sst s3  }
0xc: {  	[smem:$0x3FA5] =	sst s4  }
0xd: {  	[smem:$0x3FA6] =	sst s5  }
0xe: {  	[smem:$0x3FA7] =	sst s6  }
0xf: {  	[smem:$0x3FA8] =	sst s7  }
0x10: {  	[smem:$0x3FA9] =	sst s8  }
0x11: {  	[smem:$0x3FAA] =	sst s9;
	s0 =	simm.s32 @!p0 $0x0  }
0x12: {  	s1 =	sld [smem:$0x3F90];
	s0 =	simm.s32 @p0 $0x1  }
0x13: {  	[smem:$0x3FAB] =	sst s0;
	s0 =	simm.s32 @!p1 $0x0  }
0x14: {  	s2 =	sld [smem:$0x3F8F];
	s0 =	simm.s32 @p1 $0x1  }
0x15: {  	[smem:$0x3FAC] =	sst s0;
	s0 =	simm.s32 @!p2 $0x0  }
0x16: {  	s3 =	sld [smem:$0x3FDB];
	s0 =	simm.s32 @p2 $0x1  }
0x17: {  	s4 =	simm.s32 $0x1BF5;
	[smem:$0x3FAE] =	sst s0  }
0x18: {  	s0 =	sld [smem:$0x3F91];
	_ =	swait.ge [sflag:s4], $0x0  }
0x19: {  	s7 =	sld [smem:$0x3F92]  }
0x1a: {  	s8 =	sadd.s32 $0xFFFFE003, lr  }
0x1b: {  	s9 =	sadd.s32 $0xFFFFFEF7, lr;
	s5 =	simm.s32 $0xFFFFFFFF;
	p2 =	slt.u32 s8, $0xFFFFF086  }
0x1c: {  	p1 =	slt.u32 s9, $0xF7A;
	s5 =	simm.s32 @!p2 $0x0  }
0x1d: {  	s5 =	simm.s32 @p1 $0x1;
	p0 =	seq.s32 s7, s2  }
0x1e: {  	s7 =	smul.u32 @!p0 $0xF7A, s2;
	p2 =	seq.s32 @!p0 s5, $0x0  }
0x1f: {  	s9 =	smul.u32 $0xF7A, s1;
	s8 =	simm.s32 @!p0 $0x1BF5;
	p2 =	por !p2, p0  }
0x20: {  	[sflag:s8] =	ssyncset.s32 @!p0 $0xFFFFF086;
	s6 =	sadd.s32 @!p0 s3, s7;
	s7 =	simm.s32 @!p0 $0x108  }
0x21: {  	s3 =	sadd.s32 s3, s9;
	s6 =	sadd.s32 @!p0 $0x88, s6;
	s7 =	simm.s32 @p2 $0x1082  }
0x22: {  	[simem:s7], [sflag:s8] =	dma.local @!p0 [hbm:s6], $0xF7A  }
0x23: {  	s9 =	sor.u32 $0xD0000000, s2;
	s6 =	simm.s32 $0x108;
	_ =	swait.ge @!p0 [sflag:s8], $0x0  }
0x24: {  	s3 =	sadd.s32 $0x88, s3;
	s6 =	simm.s32 @!p1 $0x1082;
	[sflag:s4] =	ssyncset.s32 $0xFFFFF086  }
0x25: {  	[simem:s6], [sflag:s4] =	dma.local [hbm:s3], $0xF7A  }
0x26: {  	[smem:$0x3F92] =	sst s1;
	(tag) =	ssettag s2;
	_ =	strace s9  }
0x27: {  	s1 =	sld [smem:$0x3FA2]  }
0x28: {  	s2 =	sld [smem:$0x3FA3]  }
0x29: {  	s4 =	sld [smem:$0x3FA5]  }
0x2a: {  	p0 =	seq.s32 s5, $0x0;
	s5 =	sld [smem:$0x3FA6]  }
0x2b: {  	s6 =	sld [smem:$0x3FA7]  }
0x2c: {  	s7 =	sld [smem:$0x3FA8]  }
0x2d: {  	s3 =	simm.s32 $0x108;
	s8 =	sld [smem:$0x3FA9]  }
0x2e: {  	s3 =	simm.s32 @!p0 $0x1082;
	s9 =	sld [smem:$0x3FAA]  }
0x2f: {  	lr =	sadd.s32 s0, s3;
	s0 =	sld [smem:$0x3FA1]  }
0x30: {  	s3 =	sld [smem:$0x3FA4]  }
0x31: {  	[smem:$0x3FAD] =	sst s10  }
0x32: {  	s10 =	sld [smem:$0x3FAB];
	_ =	sdelay $0x3  }
0x33: {  	p0 =	seq.s32 s10, $0x1;
	s10 =	sld [smem:$0x3FAD];
	_ =	sdelay $0x3  }
0x34: {  	[smem:$0x3FAD] =	sst s10  }
0x35: {  	s10 =	sld [smem:$0x3FAC];
	_ =	sdelay $0x3  }
0x36: {  	p1 =	seq.s32 s10, $0x1;
	s10 =	sld [smem:$0x3FAD];
	_ =	sdelay $0x3  }
0x37: {  	[smem:$0x3FAD] =	sst s10  }
0x38: {  	s10 =	sld [smem:$0x3FAE]  }
0x39: {  	_ = 	snop;
	(pc) =	sbr.ind lr, $3  }
0x3a: {  	_ = 	snop  }
0x3b: {  	_ = 	snop  }
0x3c: {  	p2 =	seq.s32 s10, $0x1;
	s10 =	sld [smem:$0x3FAD]  }
0x3d: {  	_ =	shalt  }
0x3e: {  	_ =	shalt  }
0x3f: {  	_ =	shalt  }
0x40: {  	_ =	shalt  }
0x41: {  	_ =	shalt  }
0x42: {  	_ =	shalt  }
0x43: {  	_ =	shalt  }
0x44: {  	_ =	shalt  }
0x45: {  	_ =	shalt  }
0x46: {  	_ =	shalt  }
0x47: {  	_ =	shalt  }
0x48: {  	_ =	shalt  }
0x49: {  	_ =	shalt  }
0x4a: {  	_ =	shalt  }
0x4b: {  	_ =	shalt  }
0x4c: {  	_ =	shalt  }
0x4d: {  	_ =	shalt  }
0x4e: {  	_ =	shalt  }
0x4f: {  	_ =	shalt  }
0x50: {  	_ =	shalt  }
0x51: {  	_ =	shalt  }
0x52: {  	_ =	shalt  }
0x53: {  	_ =	shalt  }
0x54: {  	_ =	shalt  }
0x55: {  	_ =	shalt  }
0x56: {  	_ =	shalt  }
0x57: {  	_ =	shalt  }
0x58: {  	_ =	shalt  }
0x59: {  	_ =	shalt  }
0x5a: {  	_ =	shalt  }
0x5b: {  	_ =	shalt  }
0x5c: {  	_ =	shalt  }
0x5d: {  	_ =	shalt  }
0x5e: {  	_ =	shalt  }
0x5f: {  	_ =	shalt  }
0x60: {  	_ =	shalt  }
0x61: {  	_ =	shalt  }
0x62: {  	_ =	shalt  }
0x63: {  	_ =	shalt  }
0x64: {  	_ =	shalt  }
0x65: {  	_ =	shalt  }
0x66: {  	_ =	shalt  }
0x67: {  	_ =	shalt  }
0x68: {  	_ =	shalt  }
0x69: {  	_ =	shalt  }
0x6a: {  	_ =	shalt  }
0x6b: {  	_ =	shalt  }
0x6c: {  	_ =	shalt  }
0x6d: {  	_ =	shalt  }
0x6e: {  	_ =	shalt  }
0x6f: {  	_ =	shalt  }
0x70: {  	_ =	shalt  }
0x71: {  	_ =	shalt  }
0x72: {  	_ =	shalt  }
0x73: {  	_ =	shalt  }
0x74: {  	_ =	shalt  }
0x75: {  	_ =	shalt  }
0x76: {  	_ =	shalt  }
0x77: {  	_ =	shalt  }
0x78: {  	_ =	shalt  }
0x79: {  	_ =	shalt  }
0x7a: {  	_ =	shalt  }
0x7b: {  	_ =	shalt  }
0x7c: {  	_ =	shalt  }
0x7d: {  	_ =	shalt  }
0x7e: {  	_ =	shalt  }
0x7f: {  	_ =	shalt  }
0x80: {  	_ =	shalt  }
0x81: {  	_ =	shalt  }
0x82: {  	_ =	shalt  }
0x83: {  	_ =	shalt  }
0x84: {  	_ =	shalt  }
0x85: {  	_ =	shalt  }
0x86: {  	_ =	shalt  }
0x87: {  	_ =	shalt  }
.Lfunc_end0:
.L_simem_size_0:
called_computation_lowered:
.L_overlay_start_0:
0x88: {  	s2 =	sld [smem:$0x3FD9]  }
0x89: {  	s3 =	sld [smem:$0x3FFE];
	_ =	sdelay $0x1  }
0x8a: {  	s1 =	srdreg.scid  }
0x8b: {  	s0 =	sand.u32 $0x1, s1  }
0x8c: {  	s14 =	sshll.u32 s0, $0xA;
	s2 =	sadd.s32 s3, s2  }
0x8d: {  	s2 =	sadd.s32 s2, s14  }
0x8e: {  	[smem:$0x3FB9] =	sst s2  }
0x8f: {  	_ = 	snop  }
0x90: {  	s2 =	sld [smem:$0x3FD0];
	_ =	sdelay $0x2  }
0x91: {  	s4 =	simm.s32 $0xA;
	s5 =	simm.s32 $0x10;
	s15 =	sld [smem:$0x3FC9]  }
0x92: {  	[smem:s5], [sflag:s4] =	dma.local [hbm:s2], $0x1  }
0x93: {  	_ =	swait.eq [sflag:s4], $0x1  }
0x94: {  	[sflag:s4] =	ssyncset.done $0x0  }
0x95: {  	[sflag:s4] =	ssyncadd.s32 $0xFFFFFFFF  }
0x96: {  	s16 =	sld [smem:$0x10];
	(tm) =	ssettm $0x1  }
0x97: {  	s17 =	sld [smem:$0x3FFB];
	_ =	sdelay $0x3  }
0x98: {  	_ =	strace s17  }
0x99: {  	s4 =	sld [smem:$0x3FFC];
	_ =	sdelay $0x3  }
0x9a: {  	_ =	strace s4  }
0x9b: {  	s4 =	sld [smem:$0x3FFD];
	_ =	sdelay $0x3  }
0x9c: {  	_ =	strace s4  }
0x9d: {  	_ =	strace $0x8FFFFFFF  }
0x9e: {  	s18 =	sld [smem:$0x3FDB];
	_ =	sdelay $0x1  }
0x9f: {  	s19 =	simm.s32 $_scs_section_size  }
0xa0: {  	s6 =	simm.s32 $_size__tile_overlayer_lowered;
	s7 =	simm.s32 $_tile_overlayer_lowered  }
0xa1: {  	s22 =	simm.s32 $0x1BFF;
	s21 =	sshll.u32 s7, $0x1;
	s4 =	sadd.s32 s19, s18  }
0xa2: {  	s8 =	simm.s32 $0x0;
	s20 =	sshll.u32 s6, $0x1;
	s6 =	sadd.s32 s21, s4  }
0xa3: {  	[timem:s8], [sflag:s22] =	dma.local [hbm:s6], s20  }
0xa4: {  	_ =	swait.ge [sflag:s22], s20  }
0xa5: {  	s5 =	ssub.s32 $0x0, s20;
	[sflag:s22] =	ssyncset.done $0x0  }
0xa6: {  	[sflag:s22] =	ssyncadd.s32 s5;
	_ =	sdelay $0x1  }
0xa7: {  	s23 =	simm.s32 $0x1B8B  }
0xa8: {  	_ =	swait.ge [sflag:s23], $0x1  }
0xa9: {  	[sflag:s23] =	ssyncset.done $0x0  }
0xaa: {  	s25 =	simm.s32 $0x1B8E;
	s24 =	sld [smem:$0x3FFE];
	[sflag:s23] =	ssyncadd.s32 $0xFFFFFFFF  }
0xab: {  	s26 =	simm.s32 $execute0_lowered;
	[smem:$0x3FD2] =	sst s25  }
0xac: {  	s6 =	sshll.u32 s26, $0x1;
	_ =	strace $0x80000046;
	[dreg:$0x1] =	wrdreg $0xFFFFFFFF  }
0xad: {  	s28 =	simm.s32 $_size_execute0_lowered;
	s4 =	sadd.s32 s4, s6;
	[dreg:$0x0] =	wrdreg $0x0  }
0xae: {  	s6 =	sshll.u32 s28, $0x1;
	[dreg:$0x2] =	wrdreg s4  }
0xaf: {  	[dreg:$0x3] =	wrdreg s6  }
0xb0: {  	[dreg:$0x4] =	wrdreg $0xC0  }
0xb1: {  	_ =	task [dreg:s8], $0x5FFFF  }
0xb2: {  	[dreg:$0x1] =	wrdreg $0xFFFFFFFF  }
0xb3: {  	[dreg:$0x0] =	wrdreg $0x60  }
0xb4: {  	[dreg:$0x2] =	wrdreg s15  }
0xb5: {  	[dreg:$0x3] =	wrdreg s16  }
0xb6: {  	[dreg:$0x4] =	wrdreg s24  }
0xb7: {  	[dreg:$0x5] =	wrdreg $0x9  }
0xb8: {  	_ =	task.clear_ibuf [dreg:s8], $0x6FFFF;
	_ =	strace $0x90000046  }
0xb9: {  	s29 =	simm.s32 $0x9;
	_ =	strace $0x80000048  }
0xba: {  	_ =	swait.ge [sflag:s29], $0x1  }
0xbb: {  	[sflag:s29] =	ssyncadd.s32 $0xFFFFFFFF  }
0xbc: {  	_ =	strace $0x90000048  }
0xbd: {  	_ =	sfence  }
0xbe: {  	s30 =	sld [smem:$0x0];
	_ =	sdelay $0x2  }
0xbf: {  	s31 =	sshll.u32 s1, $0xD;
	s1 =	sshrl.u32 s1, $0x2  }
0xc0: {  	s3 =	sand.u32 $0x4000, s31;
	s1 =	sadd.s32 s1, s30  }
0xc1: {  	s0 =	sor.u32 s3, s0;
	s1 =	sshll.u32 s1, $0x11  }
0xc2: {  	s0 =	sor.u32 s1, s0  }
0xc3: {  	s0 =	sadd.s32 $0x8F2B, s0  }
0xc4: {  	[sflag:s0] =	ssyncadd.remote.s32 $0x1  }
0xc5: {  	_ =	sfence.sel $0xFFFF  }
0xc6: {  	[dreg:$0x0] =	wrdreg $0xFFFFFFFF;
	(pc) =	sbr.abs _section_cstart, $3  }
0xc7: {  	[dreg:$0x1] =	wrdreg $0xFFFFFFFF  }
0xc8: {  	_ =	task.clear_ibuf [dreg:s8], $0x2FFFF;
	_ =	strace $0x9FFFFFFF  }
0xc9: {  	(tm) =	ssettm $0x7FFFFFFF  }
tec
execute0_lowered:
.L_overlay_start_1:
0x0: {  	(tag) =	ssettag $0x1  }
0x1: {  	s1 =	rddreg [dreg:$0x0]  }
0x2: {  	s8 =	rddreg [dreg:$0x1]  }
0x3: {  	s4 =	rddreg [dreg:$0x2]  }
0x4: {  	s2 =	srdreg.scid;
	s0 =	rddreg [dreg:$0x3]  }
0x5: {  	s3 =	simm.s32 $0x0;
	s12 =	simm.s32 $0x400;
	s5 =	sand.u32 $0x1, s2  }
0x6: {  	s13 =	simm.s32 $0xCC00;
	s2 =	stileid.u32;
	s6 =	smul.u32 $0x27100, s5  }
0x7: {  	s14 =	simm.s32 $0x1;
	s15 =	simm.s32 $0x2;
	s7 =	smul.u32 $0x2710, s2  }
0x8: {  	s16 =	simm.s32 $0x0;
	[smem:$0x7FF] =	sst s3;
	s9 =	smul.u32 $0x271000, s5  }
0x9: {  	_ =	strace $0x80000047;
	s5 =	ssub.s32 $0x2, s5;
	s10 =	smul.u32 $0x27100, s2  }
0xa: {  	s29 =	sshrl.u32 s5, $0x1;
	s6 =	sadd.s32 s7, s6;
	s30 =	sadd.s32 s9, s4  }
0xb: {  	s5 =	ssub.s32 s5, s29;
	s9 =	simm.s32 $0x3;
	s11 =	sshrl.u32 s6, $0x3  }
0xc: {  	s6 =	sadd.s32 s10, s30;
	s10 =	simm.s32 $0x200;
	s31 =	sadd.s32 s11, s4  }
0xd: {  	s4 =	smax.u32 s5, $0x1;
	s5 =	sadd.s32 $0xCE00, s6;
	s6 =	sadd.s32 $0x4EEE00, s6  }
0xe: {  	s8 =	sadd.s32 s11, s8;
	s11 =	simm.s32 $0x190;
	s7 =	sadd.s32 $0x3000, s31  }
.LBB2_1:
0xf: {  	s17 =	sadd.s32 $0x0, s8  }
0x10: {  	[tilespmem:s3], [sflag:$0x3] =	stream.linear.gather [hbm4b:s17+s3], $0x190, $0x38;
	[tilespmem:$0x19400] =	vst v63  }
0x11: {  	_ =	swait.ge [sflag:s9], $0x190  }
0x12: {  	[sflag:s9] =	ssyncset.done $0x0  }
0x13: {  	s31 =	sadd.s32 $0x0, s7;
	[sflag:s9] =	ssyncadd.s32 $0xFFFFFE70  }
0x14: {  	[tilespmem:s10], [sflag:$0x3] =	stream.linear.gather [hbm4b:s31+s3], $0x190, $0x38;
	[tilespmem:$0x19400] =	vst v63  }
0x15: {  	_ =	swait.ge [sflag:s9], $0x190  }
0x16: {  	[sflag:s9] =	ssyncset.done $0x0  }
0x17: {  	[sflag:s9] =	ssyncadd.s32 $0xFFFFFE70  }
0x18: {  	[tilespmem:s12], [sflag:$0x1] =	stream.indirect.gather [hbm4b:s1+s11], $0x80, s3, s11, $0xb8;
	[tilespmem:$0x19400] =	vst v63  }
0x19: {  	_ = 	snop  }
0x1a: {  	[tilespmem:s13], [sflag:$0x2] =	stream.indirect.gather [hbm4b:s1+s11], $0x80, s10, s11, $0xb8;
	[tilespmem:$0x19400] =	vst v63  }
0x1b: {  	_ =	swait.ge [sflag:s14], $0xC800  }
0x1c: {  	[sflag:s14] =	ssyncset.done $0x0  }
0x1d: {  	[sflag:s14] =	ssyncadd.s32 $0xFFFF3800  }
0x1e: {  	_ =	swait.ge [sflag:s15], $0xC800  }
0x1f: {  	[sflag:s15] =	ssyncset.done $0x0  }
0x20: {  	[sflag:s15] =	ssyncadd.s32 $0xFFFF3800  }
0x21: {  	[hbm4b:s5+s3] =	stream.linear.scatter [tilespmem:s12], [sflag:$0x3], $0xC800, $0x38;
	[tilespmem:$0x19400] =	vst v63  }
0x22: {  	_ =	swait.ge [sflag:s9], $0xC800  }
0x23: {  	[sflag:s9] =	ssyncset.done $0x0  }
0x24: {  	[sflag:s9] =	ssyncadd.s32 $0xFFFF3800  }
0x25: {  	[hbm4b:s6+s3] =	stream.linear.scatter [tilespmem:s13], [sflag:$0x3], $0xC800, $0x38;
	[tilespmem:$0x19400] =	vst v63  }
0x26: {  	s19 =	simm.s32 $0x32;
	s20 =	simm.s32 $0x64;
	_ =	swait.ge [sflag:s9], $0xC800  }
0x27: {  	s18 =	sadd.s32 $0x1900, s5;
	s17 =	sadd.s32 $0x1900, s6;
	[sflag:s9] =	ssyncset.done $0x0  }
.LBB2_2:
0x28: {  	s21 =	sadd.s32 s19, s8  }
0x29: {  	[sflag:s9] =	ssyncadd.s32 $0xFFFF3800;
	s22 =	smov.u32 s20;
	s23 =	sadd.s32 $0x32, s20  }
0x2a: {  	[tilespmem:s3], [sflag:$0x3] =	stream.linear.gather [hbm4b:s21+s3], $0x190, $0x38;
	[tilespmem:$0x19400] =	vst v63  }
0x2b: {  	p0 =	sne.s32 s20, $0x4B0;
	_ =	swait.ge [sflag:s9], $0x190  }
0x2c: {  	[sflag:s9] =	ssyncset.done $0x0  }
0x2d: {  	s20 =	sadd.s32 s19, s7;
	s19 =	smov.u32 s22;
	[sflag:s9] =	ssyncadd.s32 $0xFFFFFE70  }
0x2e: {  	[tilespmem:s10], [sflag:$0x3] =	stream.linear.gather [hbm4b:s20+s3], $0x190, $0x38;
	[tilespmem:$0x19400] =	vst v63  }
0x2f: {  	_ =	swait.ge [sflag:s9], $0x190  }
0x30: {  	[sflag:s9] =	ssyncset.done $0x0  }
0x31: {  	[sflag:s9] =	ssyncadd.s32 $0xFFFFFE70  }
0x32: {  	[tilespmem:s12], [sflag:$0x1] =	stream.indirect.gather [hbm4b:s1+s11], $0x80, s3, s11, $0xb8;
	[tilespmem:$0x19400] =	vst v63  }
0x33: {  	_ = 	snop  }
0x34: {  	[tilespmem:s13], [sflag:$0x2] =	stream.indirect.gather [hbm4b:s1+s11], $0x80, s10, s11, $0xb8;
	[tilespmem:$0x19400] =	vst v63  }
0x35: {  	_ =	swait.ge [sflag:s14], $0xC800  }
0x36: {  	[sflag:s14] =	ssyncset.done $0x0  }
0x37: {  	[sflag:s14] =	ssyncadd.s32 $0xFFFF3800  }
0x38: {  	_ =	swait.ge [sflag:s15], $0xC800  }
0x39: {  	[sflag:s15] =	ssyncset.done $0x0  }
0x3a: {  	[sflag:s15] =	ssyncadd.s32 $0xFFFF3800  }
0x3b: {  	[hbm4b:s18+s3] =	stream.linear.scatter [tilespmem:s12], [sflag:$0x3], $0xC800, $0x38;
	[tilespmem:$0x19400] =	vst v63  }
0x3c: {  	_ =	swait.ge [sflag:s9], $0xC800  }
.Ltmp0:
0x3d: {  	[sflag:s9] =	ssyncset.done $0x0;
	(pc) =	sbr.rel @p0 .LBB2_2-.Ltmp0, $4  }
0x3e: {  	[sflag:s9] =	ssyncadd.s32 $0xFFFF3800  }
0x3f: {  	[hbm4b:s17+s3] =	stream.linear.scatter [tilespmem:s13], [sflag:$0x3], $0xC800, $0x38;
	[tilespmem:$0x19400] =	vst v63  }
0x40: {  	s20 =	smov.u32 s23;
	_ =	swait.ge [sflag:s9], $0xC800  }
0x41: {  	s18 =	sadd.s32 $0x1900, s18;
	s17 =	sadd.s32 $0x1900, s17;
	[sflag:s9] =	ssyncset.done $0x0  }
0x42: {  	s20 =	sadd.s32 s19, s8;
	[sflag:s9] =	ssyncadd.s32 $0xFFFF3800  }
0x43: {  	[tilespmem:s3], [sflag:$0x3] =	stream.linear.gather [hbm4b:s20+s3], $0x190, $0x38;
	[tilespmem:$0x19400] =	vst v63  }
0x44: {  	_ =	swait.ge [sflag:s9], $0x190  }
0x45: {  	[sflag:s9] =	ssyncset.done $0x0  }
0x46: {  	s31 =	sadd.s32 s19, s7;
	[sflag:s9] =	ssyncadd.s32 $0xFFFFFE70  }
0x47: {  	[tilespmem:s10], [sflag:$0x3] =	stream.linear.gather [hbm4b:s31+s3], $0x190, $0x38;
	[tilespmem:$0x19400] =	vst v63  }
0x48: {  	_ =	swait.ge [sflag:s9], $0x190  }
0x49: {  	[sflag:s9] =	ssyncset.done $0x0  }
0x4a: {  	[sflag:s9] =	ssyncadd.s32 $0xFFFFFE70  }
0x4b: {  	[tilespmem:s12], [sflag:$0x1] =	stream.indirect.gather [hbm4b:s1+s11], $0x80, s3, s11, $0xb8;
	[tilespmem:$0x19400] =	vst v63  }
0x4c: {  	_ = 	snop  }
0x4d: {  	[tilespmem:s13], [sflag:$0x2] =	stream.indirect.gather [hbm4b:s1+s11], $0x80, s10, s11, $0xb8;
	[tilespmem:$0x19400] =	vst v63  }
0x4e: {  	_ =	swait.ge [sflag:s14], $0xC800  }
0x4f: {  	[sflag:s14] =	ssyncset.done $0x0  }
0x50: {  	[sflag:s14] =	ssyncadd.s32 $0xFFFF3800  }
0x51: {  	_ =	swait.ge [sflag:s15], $0xC800  }
0x52: {  	[sflag:s15] =	ssyncset.done $0x0  }
0x53: {  	[sflag:s15] =	ssyncadd.s32 $0xFFFF3800  }
0x54: {  	[hbm4b:s18+s3] =	stream.linear.scatter [tilespmem:s12], [sflag:$0x3], $0xC800, $0x38;
	[tilespmem:$0x19400] =	vst v63  }
0x55: {  	s16 =	sadd.s32 $0x1, s16;
	_ =	swait.ge [sflag:s9], $0xC800  }
0x56: {  	p0 =	sne.s32 s16, s4;
	[sflag:s9] =	ssyncset.done $0x0  }
.Ltmp1:
0x57: {  	[sflag:s9] =	ssyncadd.s32 $0xFFFF3800;
	(pc) =	sbr.rel @p0 .LBB2_1-.Ltmp1, $4  }
0x58: {  	[hbm4b:s17+s3] =	stream.linear.scatter [tilespmem:s13], [sflag:$0x3], $0xC800, $0x38;
	[tilespmem:$0x19400] =	vst v63  }
0x59: {  	_ =	swait.ge [sflag:s9], $0xC800  }
0x5a: {  	[sflag:s9] =	ssyncset.done $0x0  }
0x5b: {  	[sflag:s9] =	ssyncadd.s32 $0xFFFF3800  }
0x5c: {  	_ =	sfence.sel $0x180000  }
0x5d: {  	[bflag:$0x0] =	sbarrier.arrive $0xFFFF  }
0x5e: {  	p0 =	sne.s32 s2, $0x0;
	_ =	strace $0x90000047  }
0x5f: {  	s0 =	sadd.s32 @!p0 $0x100000, s0;
	[bflag:$0x2] =	sbarrier.arrive $0xFFFF  }
0x60: {  	[sflag:s0] =	ssyncadd.tile.s32 @!p0 $0x1;
	_ =	shalt  }
.Lfunc_end2:
_tile_overlayer_lowered:
.L_overlay_start_2:
0x61: {  	(tag) =	ssettag $0x2  }
0x62: {  	s0 =	rddreg [dreg:$0x0];
	s2 =	stileid.u32  }
0x63: {  	s1 =	rddreg [dreg:$0x1];
	p0 =	sne.s32 s2, $0x0  }
0x64: {  	s3 =	rddreg [dreg:$0x2];
	[bflag:$0x3] =	sbarrier.arrive $0xFFFF;
	s2 =	simm.s32 @!p0 $0x1C03  }
0x65: {  	[timem:s3], [sflag:s2] =	dma.local @!p0 [hbm:s0], s1  }
0x66: {  	s0 =	simm.s32 @!p0 $0x3  }
0x67: {  	_ =	swait.ge @!p0 [sflag:s0], s1  }
0x68: {  	s1 =	ssub.s32 @!p0 $0x0, s1;
	[sflag:s0] =	ssyncset.done @!p0 $0x0  }
0x69: {  	[sflag:s0] =	ssyncadd.s32 @!p0 s1  }
0x6a: {  	[bflag:$0x3] =	sbarrier.arrive $0xFFFF  }
0x6b: {  	_ =	shalt  }

// kernel: kernel.9.cloned.1.call-start
scs
__scs_entry_jumppad:
0x0: {  	(pc) =	sbr.rel $0x88, $3  }
0x1: {  	(tag) =	ssettag $0x0;
	lr =	simm.s32 $0x1  }
0x2: {  	[smem:$0x3F92] =	sst lr;
	_ =	strace $0xD0000000  }
0x3: {  	_ = 	snop  }
0x4: {  	_ = 	snop  }
0x5: {  	_ = 	snop  }
0x6: {  	_ = 	snop  }
0x7: {  	_ = 	snop  }
__scs_overlays_trampoline_lowered:
0x8: {  	[smem:$0x3FA1] =	sst s0  }
0x9: {  	[smem:$0x3FA2] =	sst s1  }
0xa: {  	[smem:$0x3FA3] =	sst s2  }
0xb: {  	[smem:$0x3FA4] =	sst s3  }
0xc: {  	[smem:$0x3FA5] =	sst s4  }
0xd: {  	[smem:$0x3FA6] =	sst s5  }
0xe: {  	[smem:$0x3FA7] =	sst s6  }
0xf: {  	[smem:$0x3FA8] =	sst s7  }
0x10: {  	[smem:$0x3FA9] =	sst s8  }
0x11: {  	[smem:$0x3FAA] =	sst s9;
	s0 =	simm.s32 @!p0 $0x0  }
0x12: {  	s1 =	sld [smem:$0x3F90];
	s0 =	simm.s32 @p0 $0x1  }
0x13: {  	[smem:$0x3FAB] =	sst s0;
	s0 =	simm.s32 @!p1 $0x0  }
0x14: {  	s2 =	sld [smem:$0x3F8F];
	s0 =	simm.s32 @p1 $0x1  }
0x15: {  	[smem:$0x3FAC] =	sst s0;
	s0 =	simm.s32 @!p2 $0x0  }
0x16: {  	s3 =	sld [smem:$0x3FDB];
	s0 =	simm.s32 @p2 $0x1  }
0x17: {  	s4 =	simm.s32 $0x1BF5;
	[smem:$0x3FAE] =	sst s0  }
0x18: {  	s0 =	sld [smem:$0x3F91];
	_ =	swait.ge [sflag:s4], $0x0  }
0x19: {  	s7 =	sld [smem:$0x3F92]  }
0x1a: {  	s8 =	sadd.s32 $0xFFFFE003, lr  }
0x1b: {  	s9 =	sadd.s32 $0xFFFFFEF7, lr;
	s5 =	simm.s32 $0xFFFFFFFF;
	p2 =	slt.u32 s8, $0xFFFFF086  }
0x1c: {  	p1 =	slt.u32 s9, $0xF7A;
	s5 =	simm.s32 @!p2 $0x0  }
0x1d: {  	s5 =	simm.s32 @p1 $0x1;
	p0 =	seq.s32 s7, s2  }
0x1e: {  	s7 =	smul.u32 @!p0 $0xF7A, s2;
	p2 =	seq.s32 @!p0 s5, $0x0  }
0x1f: {  	s9 =	smul.u32 $0xF7A, s1;
	s8 =	simm.s32 @!p0 $0x1BF5;
	p2 =	por !p2, p0  }
0x20: {  	[sflag:s8] =	ssyncset.s32 @!p0 $0xFFFFF086;
	s6 =	sadd.s32 @!p0 s3, s7;
	s7 =	simm.s32 @!p0 $0x108  }
0x21: {  	s3 =	sadd.s32 s3, s9;
	s6 =	sadd.s32 @!p0 $0x88, s6;
	s7 =	simm.s32 @p2 $0x1082  }
0x22: {  	[simem:s7], [sflag:s8] =	dma.local @!p0 [hbm:s6], $0xF7A  }
0x23: {  	s9 =	sor.u32 $0xD0000000, s2;
	s6 =	simm.s32 $0x108;
	_ =	swait.ge @!p0 [sflag:s8], $0x0  }
0x24: {  	s3 =	sadd.s32 $0x88, s3;
	s6 =	simm.s32 @!p1 $0x1082;
	[sflag:s4] =	ssyncset.s32 $0xFFFFF086  }
0x25: {  	[simem:s6], [sflag:s4] =	dma.local [hbm:s3], $0xF7A  }
0x26: {  	[smem:$0x3F92] =	sst s1;
	(tag) =	ssettag s2;
	_ =	strace s9  }
0x27: {  	s1 =	sld [smem:$0x3FA2]  }
0x28: {  	s2 =	sld [smem:$0x3FA3]  }
0x29: {  	s4 =	sld [smem:$0x3FA5]  }
0x2a: {  	p0 =	seq.s32 s5, $0x0;
	s5 =	sld [smem:$0x3FA6]  }
0x2b: {  	s6 =	sld [smem:$0x3FA7]  }
0x2c: {  	s7 =	sld [smem:$0x3FA8]  }
0x2d: {  	s3 =	simm.s32 $0x108;
	s8 =	sld [smem:$0x3FA9]  }
0x2e: {  	s3 =	simm.s32 @!p0 $0x1082;
	s9 =	sld [smem:$0x3FAA]  }
0x2f: {  	lr =	sadd.s32 s0, s3;
	s0 =	sld [smem:$0x3FA1]  }
0x30: {  	s3 =	sld [smem:$0x3FA4]  }
0x31: {  	[smem:$0x3FAD] =	sst s10  }
0x32: {  	s10 =	sld [smem:$0x3FAB];
	_ =	sdelay $0x3  }
0x33: {  	p0 =	seq.s32 s10, $0x1;
	s10 =	sld [smem:$0x3FAD];
	_ =	sdelay $0x3  }
0x34: {  	[smem:$0x3FAD] =	sst s10  }
0x35: {  	s10 =	sld [smem:$0x3FAC];
	_ =	sdelay $0x3  }
0x36: {  	p1 =	seq.s32 s10, $0x1;
	s10 =	sld [smem:$0x3FAD];
	_ =	sdelay $0x3  }
0x37: {  	[smem:$0x3FAD] =	sst s10  }
0x38: {  	s10 =	sld [smem:$0x3FAE]  }
0x39: {  	_ = 	snop;
	(pc) =	sbr.ind lr, $3  }
0x3a: {  	_ = 	snop  }
0x3b: {  	_ = 	snop  }
0x3c: {  	p2 =	seq.s32 s10, $0x1;
	s10 =	sld [smem:$0x3FAD]  }
0x3d: {  	_ =	shalt  }
0x3e: {  	_ =	shalt  }
0x3f: {  	_ =	shalt  }
0x40: {  	_ =	shalt  }
0x41: {  	_ =	shalt  }
0x42: {  	_ =	shalt  }
0x43: {  	_ =	shalt  }
0x44: {  	_ =	shalt  }
0x45: {  	_ =	shalt  }
0x46: {  	_ =	shalt  }
0x47: {  	_ =	shalt  }
0x48: {  	_ =	shalt  }
0x49: {  	_ =	shalt  }
0x4a: {  	_ =	shalt  }
0x4b: {  	_ =	shalt  }
0x4c: {  	_ =	shalt  }
0x4d: {  	_ =	shalt  }
0x4e: {  	_ =	shalt  }
0x4f: {  	_ =	shalt  }
0x50: {  	_ =	shalt  }
0x51: {  	_ =	shalt  }
0x52: {  	_ =	shalt  }
0x53: {  	_ =	shalt  }
0x54: {  	_ =	shalt  }
0x55: {  	_ =	shalt  }
0x56: {  	_ =	shalt  }
0x57: {  	_ =	shalt  }
0x58: {  	_ =	shalt  }
0x59: {  	_ =	shalt  }
0x5a: {  	_ =	shalt  }
0x5b: {  	_ =	shalt  }
0x5c: {  	_ =	shalt  }
0x5d: {  	_ =	shalt  }
0x5e: {  	_ =	shalt  }
0x5f: {  	_ =	shalt  }
0x60: {  	_ =	shalt  }
0x61: {  	_ =	shalt  }
0x62: {  	_ =	shalt  }
0x63: {  	_ =	shalt  }
0x64: {  	_ =	shalt  }
0x65: {  	_ =	shalt  }
0x66: {  	_ =	shalt  }
0x67: {  	_ =	shalt  }
0x68: {  	_ =	shalt  }
0x69: {  	_ =	shalt  }
0x6a: {  	_ =	shalt  }
0x6b: {  	_ =	shalt  }
0x6c: {  	_ =	shalt  }
0x6d: {  	_ =	shalt  }
0x6e: {  	_ =	shalt  }
0x6f: {  	_ =	shalt  }
0x70: {  	_ =	shalt  }
0x71: {  	_ =	shalt  }
0x72: {  	_ =	shalt  }
0x73: {  	_ =	shalt  }
0x74: {  	_ =	shalt  }
0x75: {  	_ =	shalt  }
0x76: {  	_ =	shalt  }
0x77: {  	_ =	shalt  }
0x78: {  	_ =	shalt  }
0x79: {  	_ =	shalt  }
0x7a: {  	_ =	shalt  }
0x7b: {  	_ =	shalt  }
0x7c: {  	_ =	shalt  }
0x7d: {  	_ =	shalt  }
0x7e: {  	_ =	shalt  }
0x7f: {  	_ =	shalt  }
0x80: {  	_ =	shalt  }
0x81: {  	_ =	shalt  }
0x82: {  	_ =	shalt  }
0x83: {  	_ =	shalt  }
0x84: {  	_ =	shalt  }
0x85: {  	_ =	shalt  }
0x86: {  	_ =	shalt  }
0x87: {  	_ =	shalt  }
.Lfunc_end0:
.L_simem_size_0:
called_computation.1_lowered:
.L_overlay_start_0:
0x88: {  	s2 =	sld [smem:$0x3FD9]  }
0x89: {  	s3 =	sld [smem:$0x3FFE];
	_ =	sdelay $0x1  }
0x8a: {  	s1 =	srdreg.scid  }
0x8b: {  	s0 =	sand.u32 $0x1, s1  }
0x8c: {  	s14 =	sshll.u32 s0, $0xA;
	s2 =	sadd.s32 s3, s2  }
0x8d: {  	s2 =	sadd.s32 s2, s14  }
0x8e: {  	[smem:$0x3FB9] =	sst s2  }
0x8f: {  	_ = 	snop  }
0x90: {  	s2 =	sld [smem:$0x3FD0];
	_ =	sdelay $0x2  }
0x91: {  	s15 =	simm.s32 $0xA;
	s4 =	simm.s32 $0x10  }
0x92: {  	[smem:s4], [sflag:s15] =	dma.local [hbm:s2], $0x1  }
0x93: {  	_ =	swait.eq [sflag:s15], $0x1  }
0x94: {  	[sflag:s15] =	ssyncset.done $0x0  }
0x95: {  	[sflag:s15] =	ssyncadd.s32 $0xFFFFFFFF  }
0x96: {  	s16 =	sld [smem:$0x10];
	(tm) =	ssettm $0x1  }
0x97: {  	s17 =	sld [smem:$0x3FFB];
	_ =	sdelay $0x3  }
0x98: {  	_ =	strace s17  }
0x99: {  	s3 =	sld [smem:$0x3FFC];
	_ =	sdelay $0x3  }
0x9a: {  	_ =	strace s3  }
0x9b: {  	s3 =	sld [smem:$0x3FFD];
	_ =	sdelay $0x3  }
0x9c: {  	_ =	strace s3  }
0x9d: {  	_ =	strace $0x8FFFFFFF  }
0x9e: {  	s18 =	sld [smem:$0x3FDB];
	_ =	sdelay $0x1  }
0x9f: {  	s19 =	simm.s32 $_scs_section_size  }
0xa0: {  	s5 =	simm.s32 $_size__tile_overlayer_lowered;
	s6 =	simm.s32 $_tile_overlayer_lowered  }
0xa1: {  	s22 =	simm.s32 $0x1BFF;
	s21 =	sshll.u32 s6, $0x1;
	s3 =	sadd.s32 s19, s18  }
0xa2: {  	s7 =	simm.s32 $0x0;
	s20 =	sshll.u32 s5, $0x1;
	s5 =	sadd.s32 s21, s3  }
0xa3: {  	[timem:s7], [sflag:s22] =	dma.local [hbm:s5], s20  }
0xa4: {  	_ =	swait.ge [sflag:s22], s20  }
0xa5: {  	s4 =	ssub.s32 $0x0, s20;
	[sflag:s22] =	ssyncset.done $0x0  }
0xa6: {  	[sflag:s22] =	ssyncadd.s32 s4;
	_ =	sdelay $0x1  }
0xa7: {  	s23 =	simm.s32 $0x1B8B  }
0xa8: {  	_ =	swait.ge [sflag:s23], $0x1  }
0xa9: {  	[sflag:s23] =	ssyncset.done $0x0  }
0xaa: {  	s25 =	simm.s32 $0x1B8E;
	s24 =	sld [smem:$0x3FFE];
	[sflag:s23] =	ssyncadd.s32 $0xFFFFFFFF  }
0xab: {  	s26 =	simm.s32 $execute0_lowered;
	[smem:$0x3FD2] =	sst s25  }
0xac: {  	s5 =	sshll.u32 s26, $0x1;
	_ =	strace $0x80000049;
	[dreg:$0x1] =	wrdreg $0xFFFFFFFF  }
0xad: {  	s28 =	simm.s32 $_size_execute0_lowered;
	s3 =	sadd.s32 s3, s5;
	[dreg:$0x0] =	wrdreg $0x0  }
0xae: {  	s5 =	sshll.u32 s28, $0x1;
	[dreg:$0x2] =	wrdreg s3  }
0xaf: {  	[dreg:$0x3] =	wrdreg s5  }
0xb0: {  	[dreg:$0x4] =	wrdreg $0xC0  }
0xb1: {  	_ =	task [dreg:s7], $0x5FFFF  }
0xb2: {  	[dreg:$0x1] =	wrdreg $0xFFFFFFFF  }
0xb3: {  	[dreg:$0x0] =	wrdreg $0x60  }
0xb4: {  	[dreg:$0x2] =	wrdreg s24  }
0xb5: {  	[dreg:$0x3] =	wrdreg s16  }
0xb6: {  	[dreg:$0x4] =	wrdreg $0x9  }
0xb7: {  	_ =	task.clear_ibuf [dreg:s7], $0x5FFFF;
	_ =	strace $0x90000049  }
0xb8: {  	s29 =	simm.s32 $0x9;
	_ =	strace $0x8000004B  }
0xb9: {  	_ =	swait.ge [sflag:s29], $0x1  }
0xba: {  	[sflag:s29] =	ssyncadd.s32 $0xFFFFFFFF  }
0xbb: {  	_ =	strace $0x9000004B  }
0xbc: {  	_ =	sfence  }
0xbd: {  	s30 =	sld [smem:$0x0];
	_ =	sdelay $0x2  }
0xbe: {  	s31 =	sshll.u32 s1, $0xD;
	s1 =	sshrl.u32 s1, $0x2  }
0xbf: {  	s3 =	sand.u32 $0x4000, s31;
	s1 =	sadd.s32 s1, s30  }
0xc0: {  	s0 =	sor.u32 s3, s0;
	s1 =	sshll.u32 s1, $0x11  }
0xc1: {  	s0 =	sor.u32 s1, s0  }
0xc2: {  	s0 =	sadd.s32 $0x8F2B, s0  }
0xc3: {  	[sflag:s0] =	ssyncadd.remote.s32 $0x1  }
0xc4: {  	_ =	sfence.sel $0xFFFF  }
0xc5: {  	[dreg:$0x0] =	wrdreg $0xFFFFFFFF;
	(pc) =	sbr.abs _section_cstart, $3  }
0xc6: {  	[dreg:$0x1] =	wrdreg $0xFFFFFFFF  }
0xc7: {  	_ =	task.clear_ibuf [dreg:s7], $0x2FFFF;
	_ =	strace $0x9FFFFFFF  }
0xc8: {  	(tm) =	ssettm $0x7FFFFFFF  }
0xc9: {  	_ =	shalt  }
tec
execute0_lowered:
.L_overlay_start_1:
0x0: {  	(tag) =	ssettag $0x1  }
0x1: {  	s0 =	rddreg [dreg:$0x0]  }
0x2: {  	s2 =	rddreg [dreg:$0x1];
	s1 =	simm.s32 $0x0  }
0x3: {  	s3 =	srdreg.scid;
	s7 =	stileid.u32;
	s16 =	simm.s32 $0x1F40  }
0x4: {  	s17 =	simm.s32 $0x5;
	s18 =	simm.s32 $0x15F40;
	s19 =	simm.s32 $0x8  }
0x5: {  	s28 =	simm.s32 $0x4;
	s29 =	simm.s32 $0x1C20;
	s30 =	simm.s32 $0x1DB0  }
0x6: {  	s31 =	simm.s32 $0x0;
	[smem:$0x7FF] =	sst s1;
	s5 =	sand.u32 $0x1, s3  }
0x7: {  	v18 =	vlaneseq.u32;
	vm0 =	vcmask $0xB08;
	vm1 =	vcmask $0x300;
	s6 =	sadd.s32 s7, s0;
	s3 =	sadd.s32 $0xCE00, s0;
	s20 =	sadd.s32 $0x16C00, s0  }
0x8: {  	v0 =	vshrl.u32 v18, $0x3;
	s8 =	sadd.s32 $0x19400, s0;
	v9 =	vand.u32 $0x7, v18;
	vm0 =	vmor vm1, vm0;
	_ =	strace $0x8000004A;
	[dreg:$0x3] =	wrdreg s20  }
0x9: {  	vm1 =	vcmask $0x1310;
	v17 =	vshrl.u32 v18, $0x1;
	v18 =	vand.u32 $0x1, v18;
	s4 =	sshll.u32 s5, $0x4;
	[dreg:$0x4] =	wrdreg s8;
	s11 =	smul.u32 $0x27100, s5  }
0xa: {  	v1 =	vmul.u32 $0x8, v0;
	s22 =	ssub.s32 $0x2, s5;
	s5 =	smul.u32 $0x271000, s5;
	v10 =	vor.u32 $0x2, v0;
	v11 =	vor.u32 $0x4, v0;
	s20 =	simm.s32 $0x80  }
0xb: {  	v12 =	vor.u32 $0x6, v0;
	v13 =	vor.u32 $0x8, v0;
	vm0 =	vmor vm0, vm1;
	s12 =	sor.u32 s7, s4;
	s4 =	sadd.s32 $0x3000, s0;
	s23 =	sshrl.u32 s22, $0x1  }
0xc: {  	vm1 =	vcmask $0x1B18;
	v14 =	vor.u32 $0xA, v0;
	v15 =	vor.u32 $0xC, v0;
	s7 =	sadd.s32 $0x1395000, s6;
	s21 =	smul.u32 $0x2800, s12;
	s15 =	ssub.s32 s22, s23  }
0xd: {  	v16 =	vor.u32 $0xE, v0;
	v19 =	vor.u32 $0x8, v17;
	vm0 =	vmor vm0, vm1;
	s24 =	sshrl.u32 s11, $0x3;
	s9 =	sadd.s32 s5, s7;
	s26 =	smul.u32 $0xA00, s12  }
0xe: {  	vm1 =	vcmask $0x2320;
	v2 =	vor.u32 $0x70, v1;
	v3 =	vor.u32 $0x60, v1;
	s10 =	sadd.s32 $0x190, s11;
	s11 =	sadd.s32 $0x320, s11;
	s12 =	smul.u32 $0x2710, s12  }
0xf: {  	v4 =	vor.u32 $0x50, v1;
	vm0 =	vmor vm0, vm1;
	vm1 =	vcmask $0x2B28;
	s22 =	simm.s32 $0xE10;
	s23 =	simm.s32 $0xFA0;
	s25 =	sadd.s32 s4, s24  }
0x10: {  	v5 =	vor.u32 $0x40, v1;
	s15 =	smax.u32 s15, $0x1;
	s24 =	simm.s32 $0x1;
	vm0 =	vmor vm0, vm1;
	vm1 =	vcmask $0x3330;
	s0 =	sadd.s32 s21, s0  }
0x11: {  	v6 =	vor.u32 $0x30, v1;
	[dreg:$0x5] =	wrdreg s25;
	s14 =	sadd.s32 s2, s26;
	s21 =	simm.s32 $0x190;
	vm0 =	vmor vm0, vm1;
	vm1 =	vcmask $0x3B38  }
0x12: {  	v7 =	vor.u32 $0x20, v1;
	v8 =	vor.u32 $0x10, v1;
	s25 =	simm.s32 $0x2;
	s26 =	simm.s32 $0x3;
	s13 =	sadd.s32 $0x19E00, s0;
	vm0 =	vmor vm0, vm1  }
.LBB2_1:
0x13: {  	s0 =	rddreg [dreg:$0x3]  }
0x14: {  	[tilespmem:s16], [sflag:$0x5] =	stream.linear.gather [hbm4b:s0+s1], $0x14000, $0x38;
	[tilespmem:$0x1AF40] =	vst v63  }
0x15: {  	_ =	swait.ge [sflag:s17], $0x14000  }
0x16: {  	[sflag:s17] =	ssyncset.done $0x0  }
0x17: {  	s6 =	rddreg [dreg:$0x4];
	[sflag:s17] =	ssyncadd.s32 $0xFFFEC000  }
0x18: {  	[tilespmem:s18], [sflag:$0x5] =	stream.linear.gather [hbm4b:s6+s1], $0x5000, $0x38;
	[tilespmem:$0x1AF40] =	vst v63  }
0x19: {  	_ =	swait.ge [sflag:s17], $0x5000  }
0x1a: {  	[sflag:s17] =	ssyncset.done $0x0  }
0x1b: {  	s8 =	rddreg [dreg:$0x5];
	[sflag:s17] =	ssyncadd.s32 $0xFFFFB000  }
0x1c: {  	[tilespmem:s1], [sflag:$0x1] =	stream.linear.gather [hbm4b:s8+s1], $0x190, $0x38;
	[tilespmem:$0x1AF40] =	vst v63  }
0x1d: {  	s0 =	simm.s32 $0x0  }
0x1e: {  	[tilespmem:s21], [sflag:$0x2] =	stream.strided.gather [hbm4b:s9+s19], $0xC80, s20, s19, $0x38;
	[tilespmem:$0x1AF40] =	vst v63  }
.LBB2_2:
0x1f: {  	s2 =	smul.u32 $0x320, s0;
	_ =	sdelay $0x1  }
0x20: {  	s6 =	sadd.s32 s2, s10  }
0x21: {  	s5 =	sshrl.u32 s6, $0x3  }
0x22: {  	s6 =	sshll.u32 s6, $0x4;
	s8 =	sadd.s32 s4, s5;
	s5 =	simm.s32 $0x0  }
0x23: {  	[tilespmem:s22], [sflag:$0x3] =	stream.linear.gather [hbm4b:s8+s5], $0x190, $0x38;
	[tilespmem:$0x1AF40] =	vst v63  }
0x24: {  	s6 =	sadd.s32 s6, s7  }
0x25: {  	[tilespmem:s23], [sflag:$0x4] =	stream.strided.gather [hbm4b:s6+s19], $0xC80, s20, s19, $0x38;
	[tilespmem:$0x1AF40] =	vst v63  }
0x26: {  	_ =	swait.ge [sflag:s24], $0x190  }
0x27: {  	[sflag:s24] =	ssyncset.done $0x0  }
0x28: {  	[sflag:s24] =	ssyncadd.s32 $0xFFFFFE70  }
0x29: {  	_ =	swait.ge [sflag:s25], $0xC80  }
0x2a: {  	[sflag:s25] =	ssyncset.done $0x0  }
0x2b: {  	[sflag:s25] =	ssyncadd.s32 $0xFFFFF380  }
0x2c: {  	v20 =	vld [tilespmem:s5+$0x0];
	_ =	sdelay $0x3  }
0x2d: {  	v21 =	vmov s5  }
0x2e: {  	v21 =	vshll.u32 v21, $0x3;
	v22 =	vshll.u32 v20, $0x3  }
0x2f: {  	v23 =	vor.u32 v1, v21;
	v22 =	vand.u32 $0x78, v22  }
0x30: {  	v23 =	vor.u32 v9, v23;
	v20 =	vshra.s32 v20, $0x4;
	v24 =	vperm.xlane v22, v0  }
0x31: {  	v25 =	vperm.xlane v20, v0  }
0x32: {  	v24 =	vadd.s32 v9, v24  }
0x33: {  	v25 =	vshll.u32 v25, $0x7;
	v26 =	vand.u32 $0xFFFFFFF8, v24  }
0x34: {  	v24 =	vand.u32 $0x7, v24;
	v25 =	vadd.s32 v25, v26  }
0x35: {  	v40 =	vor.u32 v8, v21;
	v23 =	vld.idx.msk [tilespmem:v23+s21+$0x0], $0xffff;
	v24 =	vor.u32 v24, v25  }
0x36: {  	v41 =	vperm.xlane v22, v10;
	v26 =	vor.u32 v9, v40  }
0x37: {  	v27 =	vperm.xlane v20, v10  }
0x38: {  	v25 =	vadd.s32 v9, v41  }
0x39: {  	v27 =	vshll.u32 v27, $0x7;
	v28 =	vand.u32 $0xFFFFFFF8, v25  }
0x3a: {  	v27 =	vadd.s32 v27, v28;
	[tilespmem:v24+s16+$0x0] =	vst.idx.add.f32.msk $0xffff, v23;
	v23 =	vand.u32 $0x7, v25  }
0x3b: {  	v42 =	vor.u32 v7, v21;
	v43 =	vld.idx.msk [tilespmem:v26+s21+$0x0], $0xffff;
	v23 =	vor.u32 v23, v27  }
0x3c: {  	v44 =	vperm.xlane v22, v11;
	v24 =	vor.u32 v9, v42  }
0x3d: {  	v45 =	vperm.xlane v20, v11  }
0x3e: {  	v26 =	vadd.s32 v9, v44  }
0x3f: {  	v27 =	vshll.u32 v45, $0x7;
	v46 =	vand.u32 $0xFFFFFFF8, v26  }
0x40: {  	v27 =	vadd.s32 v27, v46;
	[tilespmem:v23+s16+$0x0] =	vst.idx.add.f32.msk $0xffff, v43;
	v23 =	vand.u32 $0x7, v26  }
0x41: {  	v47 =	vor.u32 v6, v21;
	v24 =	vld.idx.msk [tilespmem:v24+s21+$0x0], $0xffff;
	v23 =	vor.u32 v23, v27  }
0x42: {  	v48 =	vperm.xlane v22, v12;
	v25 =	vor.u32 v9, v47  }
0x43: {  	v49 =	vperm.xlane v20, v12  }
0x44: {  	v26 =	vadd.s32 v9, v48  }
0x45: {  	v50 =	vand.u32 $0xFFFFFFF8, v26;
	v27 =	vshll.u32 v49, $0x7  }
0x46: {  	v27 =	vadd.s32 v27, v50;
	[tilespmem:v23+s16+$0x0] =	vst.idx.add.f32.msk $0xffff, v24;
	v23 =	vand.u32 $0x7, v26  }
0x47: {  	v51 =	vor.u32 v5, v21;
	v25 =	vld.idx.msk [tilespmem:v25+s21+$0x0], $0xffff;
	v23 =	vor.u32 v23, v27  }
0x48: {  	v52 =	vperm.xlane v22, v13;
	v24 =	vor.u32 v9, v51  }
0x49: {  	v53 =	vperm.xlane v20, v13  }
0x4a: {  	v26 =	vadd.s32 v9, v52  }
0x4b: {  	v54 =	vand.u32 $0xFFFFFFF8, v26;
	v27 =	vshll.u32 v53, $0x7  }
0x4c: {  	v27 =	vadd.s32 v27, v54;
	[tilespmem:v23+s16+$0x0] =	vst.idx.add.f32.msk $0xffff, v25;
	v23 =	vand.u32 $0x7, v26  }
0x4d: {  	v55 =	vor.u32 v4, v21;
	v24 =	vld.idx.msk [tilespmem:v24+s21+$0x0], $0xffff;
	v23 =	vor.u32 v23, v27  }
0x4e: {  	v56 =	vperm.xlane v22, v14;
	v25 =	vor.u32 v9, v55  }
0x4f: {  	v57 =	vperm.xlane v20, v14  }
0x50: {  	v26 =	vadd.s32 v9, v56  }
0x51: {  	v58 =	vand.u32 $0xFFFFFFF8, v26;
	v27 =	vshll.u32 v57, $0x7  }
0x52: {  	v27 =	vadd.s32 v27, v58;
	[tilespmem:v23+s16+$0x0] =	vst.idx.add.f32.msk $0xffff, v24;
	v23 =	vand.u32 $0x7, v26  }
0x53: {  	v59 =	vor.u32 v3, v21;
	v25 =	vld.idx.msk [tilespmem:v25+s21+$0x0], $0xffff;
	v23 =	vor.u32 v23, v27  }
0x54: {  	v60 =	vperm.xlane v22, v15;
	v24 =	vor.u32 v9, v59  }
0x55: {  	v61 =	vperm.xlane v20, v15  }
0x56: {  	v26 =	vadd.s32 v9, v60  }
0x57: {  	v62 =	vand.u32 $0xFFFFFFF8, v26;
	v27 =	vshll.u32 v61, $0x7  }
0x58: {  	v27 =	vadd.s32 v27, v62;
	[tilespmem:v23+s16+$0x0] =	vst.idx.add.f32.msk $0xffff, v25;
	v23 =	vand.u32 $0x7, v26  }
0x59: {  	v21 =	vor.u32 v2, v21;
	v24 =	vld.idx.msk [tilespmem:v24+s21+$0x0], $0xffff;
	v23 =	vor.u32 v23, v27  }
0x5a: {  	v21 =	vor.u32 v9, v21;
	v22 =	vperm.xlane v22, v16  }
0x5b: {  	v20 =	vperm.xlane v20, v16  }
0x5c: {  	v22 =	vadd.s32 v9, v22  }
0x5d: {  	v20 =	vshll.u32 v20, $0x7;
	v63 =	vand.u32 $0xFFFFFFF8, v22  }
0x5e: {  	v22 =	vand.u32 $0x7, v22;
	v25 =	vadd.s32 v20, v63;
	[tilespmem:v23+s16+$0x0] =	vst.idx.add.f32.msk $0xffff, v24  }
0x5f: {  	s6 =	simm.s32 $0x10;
	v20 =	vld.idx.msk [tilespmem:v21+s21+$0x0], $0xffff;
	v21 =	vor.u32 v22, v25  }
.LBB2_3:
0x60: {  	_ =	sdelay $0x2  }
0x61: {  	p0 =	sne.s32 s6, $0x180  }
0x62: {  	s5 =	sadd.s32 $0x10, s5;
	s8 =	smov.u32 s6;
	s6 =	sadd.s32 $0x10, s6;
	[tilespmem:v21+s16+$0x0] =	vst.idx.add.f32.msk $0xffff, v20  }
0x63: {  	v20 =	vld [tilespmem:s5+$0x0];
	_ =	sdelay $0x2  }
0x64: {  	v21 =	vmov s8  }
0x65: {  	v21 =	vshll.u32 v21, $0x3  }
0x66: {  	v23 =	vor.u32 v1, v21;
	v22 =	vshra.s32 v20, $0x4;
	v20 =	vshll.u32 v20, $0x3  }
0x67: {  	v23 =	vor.u32 v9, v23;
	v20 =	vand.u32 $0x78, v20;
	v24 =	vperm.xlane v22, v0  }
0x68: {  	v27 =	vor.u32 v8, v21;
	v25 =	vperm.xlane v20, v0;
	v26 =	vperm.xlane v20, v10  }
0x69: {  	v30 =	vor.u32 v7, v21;
	v28 =	vperm.xlane v22, v10;
	v29 =	vperm.xlane v20, v11  }
0x6a: {  	v31 =	vperm.xlane v22, v11;
	v25 =	vadd.s32 v9, v25;
	v26 =	vadd.s32 v9, v26  }
0x6b: {  	v24 =	vshll.u32 v24, $0x7;
	v32 =	vand.u32 $0xFFFFFFF8, v25;
	v33 =	vand.u32 $0xFFFFFFF8, v26  }
0x6c: {  	v28 =	vshll.u32 v28, $0x7;
	v25 =	vand.u32 $0x7, v25;
	v23 =	vld.idx.msk [tilespmem:v23+s21+$0x0], $0xffff;
	v24 =	vadd.s32 v24, v32  }
0x6d: {  	v24 =	vor.u32 v25, v24;
	v25 =	vadd.s32 v28, v33;
	v28 =	vadd.s32 v9, v29  }
0x6e: {  	v27 =	vor.u32 v9, v27;
	v31 =	vshll.u32 v31, $0x7;
	v29 =	vand.u32 $0xFFFFFFF8, v28  }
0x6f: {  	v32 =	vor.u32 v6, v21;
	v29 =	vadd.s32 v31, v29;
	v31 =	vperm.xlane v20, v12  }
0x70: {  	v35 =	vor.u32 v5, v21;
	v34 =	vperm.xlane v20, v13;
	v33 =	vperm.xlane v22, v12  }
0x71: {  	v37 =	vor.u32 v4, v21;
	v36 =	vperm.xlane v22, v13;
	v31 =	vadd.s32 v9, v31  }
0x72: {  	[tilespmem:v24+s16+$0x0] =	vst.idx.add.f32.msk $0xffff, v23;
	v23 =	vand.u32 $0xFFFFFFF8, v31;
	v24 =	vshll.u32 v33, $0x7;
	v33 =	vadd.s32 v9, v34  }
0x73: {  	v26 =	vand.u32 $0x7, v26;
	v27 =	vld.idx.msk [tilespmem:v27+s21+$0x0], $0xffff;
	v23 =	vadd.s32 v24, v23;
	v24 =	vand.u32 $0xFFFFFFF8, v33  }
0x74: {  	v25 =	vor.u32 v26, v25;
	v26 =	vshll.u32 v36, $0x7;
	v34 =	vperm.xlane v20, v14  }
0x75: {  	v30 =	vor.u32 v9, v30;
	v24 =	vadd.s32 v26, v24;
	v26 =	vperm.xlane v22, v14  }
0x76: {  	v38 =	vor.u32 v3, v21;
	v36 =	vperm.xlane v20, v15;
	v34 =	vadd.s32 v9, v34  }
0x77: {  	v40 =	vperm.xlane v22, v15;
	v39 =	vand.u32 $0xFFFFFFF8, v34;
	v26 =	vshll.u32 v26, $0x7  }
0x78: {  	v21 =	vor.u32 v2, v21;
	v36 =	vadd.s32 v9, v36;
	v26 =	vadd.s32 v26, v39  }
0x79: {  	v20 =	vperm.xlane v20, v16;
	[tilespmem:v25+s16+$0x0] =	vst.idx.add.f32.msk $0xffff, v27;
	v25 =	vand.u32 $0xFFFFFFF8, v36;
	v27 =	vshll.u32 v40, $0x7  }
0x7a: {  	v28 =	vand.u32 $0x7, v28;
	v22 =	vperm.xlane v22, v16;
	v30 =	vld.idx.msk [tilespmem:v30+s21+$0x0], $0xffff;
	v25 =	vadd.s32 v27, v25  }
0x7b: {  	v27 =	vor.u32 v28, v29;
	v28 =	vadd.s32 v9, v20  }
0x7c: {  	v22 =	vshll.u32 v22, $0x7;
	v20 =	vor.u32 v9, v32;
	v29 =	vand.u32 $0xFFFFFFF8, v28  }
0x7d: {  	v22 =	vadd.s32 v22, v29;
	_ =	sdelay $0x2  }
0x7e: {  	[tilespmem:v27+s16+$0x0] =	vst.idx.add.f32.msk $0xffff, v30  }
0x7f: {  	v27 =	vand.u32 $0x7, v31;
	v20 =	vld.idx.msk [tilespmem:v20+s21+$0x0], $0xffff  }
0x80: {  	v23 =	vor.u32 v27, v23  }
0x81: {  	v27 =	vor.u32 v9, v35;
	_ =	sdelay $0x3  }
0x82: {  	[tilespmem:v23+s16+$0x0] =	vst.idx.add.f32.msk $0xffff, v20  }
0x83: {  	v23 =	vand.u32 $0x7, v33;
	v20 =	vld.idx.msk [tilespmem:v27+s21+$0x0], $0xffff  }
0x84: {  	v23 =	vor.u32 v23, v24  }
0x85: {  	v24 =	vor.u32 v9, v37;
	_ =	sdelay $0x3  }
0x86: {  	[tilespmem:v23+s16+$0x0] =	vst.idx.add.f32.msk $0xffff, v20  }
0x87: {  	v23 =	vand.u32 $0x7, v34;
	v20 =	vld.idx.msk [tilespmem:v24+s21+$0x0], $0xffff  }
0x88: {  	v23 =	vor.u32 v23, v26  }
0x89: {  	v24 =	vor.u32 v9, v38;
	_ =	sdelay $0x3  }
0x8a: {  	[tilespmem:v23+s16+$0x0] =	vst.idx.add.f32.msk $0xffff, v20  }
0x8b: {  	v23 =	vand.u32 $0x7, v36;
	v20 =	vld.idx.msk [tilespmem:v24+s21+$0x0], $0xffff  }
0x8c: {  	v23 =	vor.u32 v23, v25  }
0x8d: {  	v21 =	vor.u32 v9, v21;
	_ =	sdelay $0x1  }
.Ltmp0:
0x8e: {  	(pc) =	sbr.rel @p0 .LBB2_3-.Ltmp0, $4  }
0x8f: {  	_ = 	snop  }
0x90: {  	[tilespmem:v23+s16+$0x0] =	vst.idx.add.f32.msk $0xffff, v20  }
0x91: {  	v20 =	vld.idx.msk [tilespmem:v21+s21+$0x0], $0xffff;
	v21 =	vand.u32 $0x7, v28  }
0x92: {  	v21 =	vor.u32 v21, v22  }
0x93: {  	_ = 	snop  }
0x94: {  	s2 =	smin.u32 s2, $0x26C50  }
0x95: {  	s2 =	sadd.s32 s2, s11  }
0x96: {  	s5 =	sshrl.u32 s2, $0x3  }
0x97: {  	s6 =	simm.s32 $0x0;
	s2 =	sshll.u32 s2, $0x4;
	[tilespmem:v21+s16+$0x0] =	vst.idx.add.f32.msk $0xffff, v20;
	s5 =	sadd.s32 s4, s5  }
0x98: {  	[tilespmem:s6], [sflag:$0x1] =	stream.linear.gather [hbm4b:s5+s6], $0x190, $0x38;
	[tilespmem:$0x1AF40] =	vst v63  }
0x99: {  	s2 =	sadd.s32 s2, s7  }
0x9a: {  	[tilespmem:s21], [sflag:$0x2] =	stream.strided.gather [hbm4b:s2+s19], $0xC80, s20, s19, $0x38;
	[tilespmem:$0x1AF40] =	vst v63  }
0x9b: {  	_ =	swait.ge [sflag:s26], $0x190  }
0x9c: {  	[sflag:s26] =	ssyncset.done $0x0  }
0x9d: {  	[sflag:s26] =	ssyncadd.s32 $0xFFFFFE70  }
0x9e: {  	_ =	swait.ge [sflag:s28], $0xC80  }
0x9f: {  	[sflag:s28] =	ssyncset.done $0x0  }
0xa0: {  	s2 =	simm.s32 $0xE10;
	[sflag:s28] =	ssyncadd.s32 $0xFFFFF380  }
0xa1: {  	v20 =	vld [tilespmem:s2+$0x0];
	_ =	sdelay $0x3  }
0xa2: {  	v21 =	vmov s6  }
0xa3: {  	v21 =	vshll.u32 v21, $0x3;
	v22 =	vshll.u32 v20, $0x3  }
0xa4: {  	v23 =	vor.u32 v1, v21;
	v22 =	vand.u32 $0x78, v22  }
0xa5: {  	v23 =	vor.u32 v9, v23;
	v20 =	vshra.s32 v20, $0x4;
	v24 =	vperm.xlane v22, v0  }
0xa6: {  	v25 =	vperm.xlane v20, v0  }
0xa7: {  	v24 =	vadd.s32 v9, v24  }
0xa8: {  	v25 =	vshll.u32 v25, $0x7;
	v26 =	vand.u32 $0xFFFFFFF8, v24  }
0xa9: {  	v24 =	vand.u32 $0x7, v24;
	v25 =	vadd.s32 v25, v26  }
0xaa: {  	v40 =	vor.u32 v8, v21;
	v23 =	vld.idx.msk [tilespmem:v23+s23+$0x0], $0xffff;
	v24 =	vor.u32 v24, v25  }
0xab: {  	v41 =	vperm.xlane v22, v10;
	v26 =	vor.u32 v9, v40  }
0xac: {  	v27 =	vperm.xlane v20, v10  }
0xad: {  	v25 =	vadd.s32 v9, v41  }
0xae: {  	v27 =	vshll.u32 v27, $0x7;
	v28 =	vand.u32 $0xFFFFFFF8, v25  }
0xaf: {  	v27 =	vadd.s32 v27, v28;
	[tilespmem:v24+s16+$0x0] =	vst.idx.add.f32.msk $0xffff, v23;
	v23 =	vand.u32 $0x7, v25  }
0xb0: {  	v42 =	vor.u32 v7, v21;
	v43 =	vld.idx.msk [tilespmem:v26+s23+$0x0], $0xffff;
	v23 =	vor.u32 v23, v27  }
0xb1: {  	v44 =	vperm.xlane v22, v11;
	v24 =	vor.u32 v9, v42  }
0xb2: {  	v45 =	vperm.xlane v20, v11  }
0xb3: {  	v26 =	vadd.s32 v9, v44  }
0xb4: {  	v27 =	vshll.u32 v45, $0x7;
	v46 =	vand.u32 $0xFFFFFFF8, v26  }
0xb5: {  	v27 =	vadd.s32 v27, v46;
	[tilespmem:v23+s16+$0x0] =	vst.idx.add.f32.msk $0xffff, v43;
	v23 =	vand.u32 $0x7, v26  }
0xb6: {  	v47 =	vor.u32 v6, v21;
	v24 =	vld.idx.msk [tilespmem:v24+s23+$0x0], $0xffff;
	v23 =	vor.u32 v23, v27  }
0xb7: {  	v48 =	vperm.xlane v22, v12;
	v25 =	vor.u32 v9, v47  }
0xb8: {  	v49 =	vperm.xlane v20, v12  }
0xb9: {  	v26 =	vadd.s32 v9, v48  }
0xba: {  	v50 =	vand.u32 $0xFFFFFFF8, v26;
	v27 =	vshll.u32 v49, $0x7  }
0xbb: {  	v27 =	vadd.s32 v27, v50;
	[tilespmem:v23+s16+$0x0] =	vst.idx.add.f32.msk $0xffff, v24;
	v23 =	vand.u32 $0x7, v26  }
0xbc: {  	v51 =	vor.u32 v5, v21;
	v25 =	vld.idx.msk [tilespmem:v25+s23+$0x0], $0xffff;
	v23 =	vor.u32 v23, v27  }
0xbd: {  	v52 =	vperm.xlane v22, v13;
	v24 =	vor.u32 v9, v51  }
0xbe: {  	v53 =	vperm.xlane v20, v13  }
0xbf: {  	v26 =	vadd.s32 v9, v52  }
0xc0: {  	v54 =	vand.u32 $0xFFFFFFF8, v26;
	v27 =	vshll.u32 v53, $0x7  }
0xc1: {  	v27 =	vadd.s32 v27, v54;
	[tilespmem:v23+s16+$0x0] =	vst.idx.add.f32.msk $0xffff, v25;
	v23 =	vand.u32 $0x7, v26  }
0xc2: {  	v55 =	vor.u32 v4, v21;
	v24 =	vld.idx.msk [tilespmem:v24+s23+$0x0], $0xffff;
	v23 =	vor.u32 v23, v27  }
0xc3: {  	v56 =	vperm.xlane v22, v14;
	v25 =	vor.u32 v9, v55  }
0xc4: {  	v57 =	vperm.xlane v20, v14  }
0xc5: {  	v26 =	vadd.s32 v9, v56  }
0xc6: {  	v58 =	vand.u32 $0xFFFFFFF8, v26;
	v27 =	vshll.u32 v57, $0x7  }
0xc7: {  	v27 =	vadd.s32 v27, v58;
	[tilespmem:v23+s16+$0x0] =	vst.idx.add.f32.msk $0xffff, v24;
	v23 =	vand.u32 $0x7, v26  }
0xc8: {  	v59 =	vor.u32 v3, v21;
	v25 =	vld.idx.msk [tilespmem:v25+s23+$0x0], $0xffff;
	v23 =	vor.u32 v23, v27  }
0xc9: {  	v60 =	vperm.xlane v22, v15;
	v24 =	vor.u32 v9, v59  }
0xca: {  	v61 =	vperm.xlane v20, v15  }
0xcb: {  	v26 =	vadd.s32 v9, v60  }
0xcc: {  	v62 =	vand.u32 $0xFFFFFFF8, v26;
	v27 =	vshll.u32 v61, $0x7  }
0xcd: {  	v27 =	vadd.s32 v27, v62;
	[tilespmem:v23+s16+$0x0] =	vst.idx.add.f32.msk $0xffff, v25;
	v23 =	vand.u32 $0x7, v26  }
0xce: {  	v21 =	vor.u32 v2, v21;
	v24 =	vld.idx.msk [tilespmem:v24+s23+$0x0], $0xffff;
	v23 =	vor.u32 v23, v27  }
0xcf: {  	v21 =	vor.u32 v9, v21;
	v22 =	vperm.xlane v22, v16  }
0xd0: {  	v20 =	vperm.xlane v20, v16  }
0xd1: {  	v22 =	vadd.s32 v9, v22  }
0xd2: {  	v20 =	vshll.u32 v20, $0x7;
	v63 =	vand.u32 $0xFFFFFFF8, v22  }
0xd3: {  	v22 =	vand.u32 $0x7, v22;
	v25 =	vadd.s32 v20, v63;
	[tilespmem:v23+s16+$0x0] =	vst.idx.add.f32.msk $0xffff, v24  }
0xd4: {  	s5 =	simm.s32 $0x10;
	v20 =	vld.idx.msk [tilespmem:v21+s23+$0x0], $0xffff;
	v21 =	vor.u32 v22, v25  }
.LBB2_5:
0xd5: {  	_ =	sdelay $0x2  }
0xd6: {  	p0 =	sne.s32 s5, $0x180  }
0xd7: {  	s2 =	sadd.s32 $0x10, s2;
	s6 =	smov.u32 s5;
	s5 =	sadd.s32 $0x10, s5;
	[tilespmem:v21+s16+$0x0] =	vst.idx.add.f32.msk $0xffff, v20  }
0xd8: {  	v20 =	vld [tilespmem:s2+$0x0];
	_ =	sdelay $0x2  }
0xd9: {  	v21 =	vmov s6  }
0xda: {  	v21 =	vshll.u32 v21, $0x3  }
0xdb: {  	v23 =	vor.u32 v1, v21;
	v22 =	vshra.s32 v20, $0x4;
	v20 =	vshll.u32 v20, $0x3  }
0xdc: {  	v23 =	vor.u32 v9, v23;
	v20 =	vand.u32 $0x78, v20;
	v24 =	vperm.xlane v22, v0  }
0xdd: {  	v27 =	vor.u32 v8, v21;
	v25 =	vperm.xlane v20, v0;
	v26 =	vperm.xlane v20, v10  }
0xde: {  	v30 =	vor.u32 v7, v21;
	v28 =	vperm.xlane v22, v10;
	v29 =	vperm.xlane v20, v11  }
0xdf: {  	v31 =	vperm.xlane v22, v11;
	v25 =	vadd.s32 v9, v25;
	v26 =	vadd.s32 v9, v26  }
0xe0: {  	v24 =	vshll.u32 v24, $0x7;
	v32 =	vand.u32 $0xFFFFFFF8, v25;
	v33 =	vand.u32 $0xFFFFFFF8, v26  }
0xe1: {  	v28 =	vshll.u32 v28, $0x7;
	v25 =	vand.u32 $0x7, v25;
	v23 =	vld.idx.msk [tilespmem:v23+s23+$0x0], $0xffff;
	v24 =	vadd.s32 v24, v32  }
0xe2: {  	v24 =	vor.u32 v25, v24;
	v25 =	vadd.s32 v28, v33;
	v28 =	vadd.s32 v9, v29  }
0xe3: {  	v27 =	vor.u32 v9, v27;
	v31 =	vshll.u32 v31, $0x7;
	v29 =	vand.u32 $0xFFFFFFF8, v28  }
0xe4: {  	v32 =	vor.u32 v6, v21;
	v29 =	vadd.s32 v31, v29;
	v31 =	vperm.xlane v20, v12  }
0xe5: {  	v35 =	vor.u32 v5, v21;
	v34 =	vperm.xlane v20, v13;
	v33 =	vperm.xlane v22, v12  }
0xe6: {  	v37 =	vor.u32 v4, v21;
	v36 =	vperm.xlane v22, v13;
	v31 =	vadd.s32 v9, v31  }
0xe7: {  	[tilespmem:v24+s16+$0x0] =	vst.idx.add.f32.msk $0xffff, v23;
	v23 =	vand.u32 $0xFFFFFFF8, v31;
	v24 =	vshll.u32 v33, $0x7;
	v33 =	vadd.s32 v9, v34  }
0xe8: {  	v26 =	vand.u32 $0x7, v26;
	v27 =	vld.idx.msk [tilespmem:v27+s23+$0x0], $0xffff;
	v23 =	vadd.s32 v24, v23;
	v24 =	vand.u32 $0xFFFFFFF8, v33  }
0xe9: {  	v25 =	vor.u32 v26, v25;
	v26 =	vshll.u32 v36, $0x7;
	v34 =	vperm.xlane v20, v14  }
0xea: {  	v30 =	vor.u32 v9, v30;
	v24 =	vadd.s32 v26, v24;
	v26 =	vperm.xlane v22, v14  }
0xeb: {  	v38 =	vor.u32 v3, v21;
	v36 =	vperm.xlane v20, v15;
	v34 =	vadd.s32 v9, v34  }
0xec: {  	v40 =	vperm.xlane v22, v15;
	v39 =	vand.u32 $0xFFFFFFF8, v34;
	v26 =	vshll.u32 v26, $0x7  }
0xed: {  	v21 =	vor.u32 v2, v21;
	v36 =	vadd.s32 v9, v36;
	v26 =	vadd.s32 v26, v39  }
0xee: {  	v20 =	vperm.xlane v20, v16;
	[tilespmem:v25+s16+$0x0] =	vst.idx.add.f32.msk $0xffff, v27;
	v25 =	vand.u32 $0xFFFFFFF8, v36;
	v27 =	vshll.u32 v40, $0x7  }
0xef: {  	v28 =	vand.u32 $0x7, v28;
	v22 =	vperm.xlane v22, v16;
	v30 =	vld.idx.msk [tilespmem:v30+s23+$0x0], $0xffff;
	v25 =	vadd.s32 v27, v25  }
0xf0: {  	v27 =	vor.u32 v28, v29;
	v28 =	vadd.s32 v9, v20  }
0xf1: {  	v22 =	vshll.u32 v22, $0x7;
	v20 =	vor.u32 v9, v32;
	v29 =	vand.u32 $0xFFFFFFF8, v28  }
0xf2: {  	v22 =	vadd.s32 v22, v29;
	_ =	sdelay $0x2  }
0xf3: {  	[tilespmem:v27+s16+$0x0] =	vst.idx.add.f32.msk $0xffff, v30  }
0xf4: {  	v27 =	vand.u32 $0x7, v31;
	v20 =	vld.idx.msk [tilespmem:v20+s23+$0x0], $0xffff  }
0xf5: {  	v23 =	vor.u32 v27, v23  }
0xf6: {  	v27 =	vor.u32 v9, v35;
	_ =	sdelay $0x3  }
0xf7: {  	[tilespmem:v23+s16+$0x0] =	vst.idx.add.f32.msk $0xffff, v20  }
0xf8: {  	v23 =	vand.u32 $0x7, v33;
	v20 =	vld.idx.msk [tilespmem:v27+s23+$0x0], $0xffff  }
0xf9: {  	v23 =	vor.u32 v23, v24  }
0xfa: {  	v24 =	vor.u32 v9, v37;
	_ =	sdelay $0x3  }
0xfb: {  	[tilespmem:v23+s16+$0x0] =	vst.idx.add.f32.msk $0xffff, v20  }
0xfc: {  	v23 =	vand.u32 $0x7, v34;
	v20 =	vld.idx.msk [tilespmem:v24+s23+$0x0], $0xffff  }
0xfd: {  	v23 =	vor.u32 v23, v26  }
0xfe: {  	v24 =	vor.u32 v9, v38;
	_ =	sdelay $0x3  }
0xff: {  	[tilespmem:v23+s16+$0x0] =	vst.idx.add.f32.msk $0xffff, v20  }
0x100: {  	v23 =	vand.u32 $0x7, v36;
	v20 =	vld.idx.msk [tilespmem:v24+s23+$0x0], $0xffff  }
0x101: {  	v23 =	vor.u32 v23, v25  }
0x102: {  	v21 =	vor.u32 v9, v21;
	_ =	sdelay $0x1  }
.Ltmp1:
0x103: {  	(pc) =	sbr.rel @p0 .LBB2_5-.Ltmp1, $4  }
0x104: {  	_ = 	snop  }
0x105: {  	[tilespmem:v23+s16+$0x0] =	vst.idx.add.f32.msk $0xffff, v20  }
0x106: {  	v20 =	vld.idx.msk [tilespmem:v21+s23+$0x0], $0xffff;
	v21 =	vand.u32 $0x7, v28  }
0x107: {  	v21 =	vor.u32 v21, v22  }
0x108: {  	s0 =	sadd.s32 $0x1, s0  }
0x109: {  	p0 =	sne.s32 s0, $0xC8  }
.Ltmp2:
0x10a: {  	_ = 	snop;
	(pc) =	sbr.rel @p0 .LBB2_2-.Ltmp2, $2  }
0x10b: {  	_ =	sdelay $0x2  }
0x10c: {  	[tilespmem:v21+s16+$0x0] =	vst.idx.add.f32.msk $0xffff, v20  }
0x10d: {  	_ =	swait.ge [sflag:s24], $0x190  }
0x10e: {  	[sflag:s24] =	ssyncset.done $0x0  }
0x10f: {  	[sflag:s24] =	ssyncadd.s32 $0xFFFFFE70  }
0x110: {  	_ =	swait.ge [sflag:s25], $0xC80  }
0x111: {  	[sflag:s25] =	ssyncset.done $0x0  }
0x112: {  	s0 =	simm.s32 $0x0;
	s2 =	simm.s32 $0x0;
	[sflag:s25] =	ssyncadd.s32 $0xFFFFF380  }
.LBB2_8:
0x113: {  	s5 =	smul.u32 $0x190, s2;
	_ =	sdelay $0x1  }
0x114: {  	s5 =	sadd.s32 s12, s5  }
0x115: {  	s5 =	sshrl.u32 s5, $0x3  }
0x116: {  	s6 =	sadd.s32 s4, s5  }
0x117: {  	[tilespmem:s29], [sflag:$0x5] =	stream.linear.gather [hbm4b:s6+s0], $0x190, $0x38;
	[tilespmem:$0x1AF40] =	vst v63  }
0x118: {  	_ =	swait.ge [sflag:s17], $0x190  }
0x119: {  	[sflag:s17] =	ssyncset.done $0x0  }
0x11a: {  	s5 =	sadd.s32 s3, s5;
	[sflag:s17] =	ssyncadd.s32 $0xFFFFFE70  }
0x11b: {  	[tilespmem:s30], [sflag:$0x5] =	stream.linear.gather [hbm4b:s5+s0], $0x190, $0x38;
	[tilespmem:$0x1AF40] =	vst v63  }
0x11c: {  	_ =	swait.ge [sflag:s17], $0x190  }
0x11d: {  	[sflag:s17] =	ssyncset.done $0x0  }
0x11e: {  	s8 =	simm.s32 $0x0;
	[sflag:s17] =	ssyncadd.s32 $0xFFFFFE70  }
0x11f: {  	v20 =	vld [tilespmem:s8+$0x1C20];
	_ =	sdelay $0x4  }
0x120: {  	v21 =	vshll.u32 v20, $0x1  }
0x121: {  	v21 =	vand.u32 $0x7E, v21  }
0x122: {  	v20 =	vshra.s32 v20, $0x6;
	v22 =	vperm.xlane v21, v17  }
0x123: {  	v23 =	vperm.xlane v20, v17  }
0x124: {  	v24 =	vld [tilespmem:s8+$0x1DB0];
	v21 =	vperm.xlane v21, v19;
	v22 =	vadd.s32 v18, v22  }
0x125: {  	v20 =	vperm.xlane v20, v19;
	v23 =	vshll.u32 v23, $0x7;
	v25 =	vand.u32 $0xFFFFFFF8, v22  }
0x126: {  	v21 =	vadd.s32 v18, v21;
	v22 =	vand.u32 $0x7, v22;
	v23 =	vadd.s32 v23, v25  }
0x127: {  	v20 =	vshll.u32 v20, $0x7;
	v63 =	vand.u32 $0xFFFFFFF8, v21;
	v22 =	vor.u32 v22, v23  }
0x128: {  	v21 =	vand.u32 $0x7, v21;
	v20 =	vadd.s32 v20, v63  }
0x129: {  	v23 =	vperm.xlane v24, v17;
	v20 =	vor.u32 v21, v20  }
0x12a: {  	v24 =	vperm.xlane v24, v19  }
0x12b: {  	v23 =	vnsel vm0, $0x3F800000, v23  }
0x12c: {  	s6 =	simm.s32 $0x80;
	s5 =	simm.s32 $0x40;
	v21 =	vnsel vm0, $0x3F800000, v24;
	[tilespmem:v22+s18+$0x0] =	vst.idx.add.f32.msk $0xffff, v23  }
.LBB2_9:
0x12d: {  	p0 =	sne.s32 s6, $0x600  }
0x12e: {  	s8 =	sshra.s32 s5, $0x2;
	[tilespmem:v20+s18+$0x0] =	vst.idx.add.f32.msk $0xffff, v21;
	s5 =	smov.u32 s6;
	s6 =	sadd.s32 $0x40, s6  }
0x12f: {  	v20 =	vld [tilespmem:s8+$0x1C20];
	_ =	sdelay $0x4  }
0x130: {  	v21 =	vshra.s32 v20, $0x6;
	v20 =	vshll.u32 v20, $0x1  }
0x131: {  	v20 =	vand.u32 $0x7E, v20;
	v22 =	vperm.xlane v21, v17;
	v21 =	vperm.xlane v21, v19  }
0x132: {  	v23 =	vperm.xlane v20, v17;
	v20 =	vperm.xlane v20, v19;
	_ =	sdelay $0x1  }
0x133: {  	v21 =	vshll.u32 v21, $0x7;
	v24 =	vld [tilespmem:s8+$0x1DB0];
	v23 =	vadd.s32 v18, v23;
	v20 =	vadd.s32 v18, v20  }
0x134: {  	v22 =	vshll.u32 v22, $0x7;
	v25 =	vand.u32 $0xFFFFFFF8, v23;
	v26 =	vand.u32 $0xFFFFFFF8, v20  }
0x135: {  	v23 =	vand.u32 $0x7, v23;
	v22 =	vadd.s32 v22, v25;
	v21 =	vadd.s32 v21, v26  }
0x136: {  	v20 =	vand.u32 $0x7, v20;
	v22 =	vor.u32 v23, v22  }
.Ltmp3:
0x137: {  	v20 =	vor.u32 v20, v21;
	(pc) =	sbr.rel @p0 .LBB2_9-.Ltmp3, $3  }
0x138: {  	v21 =	vperm.xlane v24, v17;
	v23 =	vperm.xlane v24, v19;
	_ =	sdelay $0x1  }
0x139: {  	v21 =	vnsel vm0, $0x3F800000, v21  }
0x13a: {  	[tilespmem:v22+s18+$0x0] =	vst.idx.add.f32.msk $0xffff, v21;
	v21 =	vnsel vm0, $0x3F800000, v23  }
0x13b: {  	_ =	sdelay $0x3  }
0x13c: {  	s5 =	sshra.s32 s5, $0x2;
	[tilespmem:v20+s18+$0x0] =	vst.idx.add.f32.msk $0xffff, v21  }
0x13d: {  	v20 =	vld [tilespmem:s5+$0x1C20];
	_ =	sdelay $0x4  }
0x13e: {  	v60 =	vshll.u32 v20, $0x1;
	v20 =	vshra.s32 v20, $0x6  }
0x13f: {  	v21 =	vand.u32 $0x7E, v60;
	v23 =	vperm.xlane v20, v17  }
0x140: {  	v20 =	vperm.xlane v20, v19;
	v22 =	vperm.xlane v21, v17  }
0x141: {  	v21 =	vperm.xlane v21, v19  }
0x142: {  	v24 =	vld [tilespmem:s5+$0x1DB0];
	v20 =	vshll.u32 v20, $0x7;
	v22 =	vadd.s32 v18, v22  }
0x143: {  	v23 =	vshll.u32 v23, $0x7;
	v21 =	vadd.s32 v18, v21;
	v25 =	vand.u32 $0xFFFFFFF8, v22  }
0x144: {  	v26 =	vand.u32 $0xFFFFFFF8, v21;
	v22 =	vand.u32 $0x7, v22;
	v23 =	vadd.s32 v23, v25  }
0x145: {  	s2 =	sadd.s32 $0x1, s2;
	v21 =	vand.u32 $0x7, v21;
	v20 =	vadd.s32 v20, v26;
	v22 =	vor.u32 v22, v23  }
0x146: {  	p0 =	sne.s32 s2, $0x19;
	v20 =	vor.u32 v21, v20  }
.Ltmp4:
0x147: {  	v61 =	vperm.xlane v24, v17;
	(pc) =	sbr.rel @p0 .LBB2_8-.Ltmp4, $4  }
0x148: {  	v62 =	vperm.xlane v24, v19  }
0x149: {  	v21 =	vnsel vm0, $0x3F800000, v61  }
0x14a: {  	v63 =	vnsel vm0, $0x3F800000, v62;
	[tilespmem:v22+s18+$0x0] =	vst.idx.add.f32.msk $0xffff, v21  }
0x14b: {  	[tilespmem:v20+s18+$0x0] =	vst.idx.add.f32.msk $0xffff, v63  }
0x14c: {  	[hbm4b:s13+s1] =	stream.linear.scatter [tilespmem:s16], [sflag:$0x5], $0x14000, $0x38;
	[tilespmem:$0x1AF40] =	vst v63  }
0x14d: {  	s31 =	sadd.s32 $0x1, s31;
	_ =	swait.ge [sflag:s17], $0x14000  }
0x14e: {  	p0 =	sne.s32 s31, s15;
	[sflag:s17] =	ssyncset.done $0x0  }
.Ltmp5:
0x14f: {  	[sflag:s17] =	ssyncadd.s32 $0xFFFEC000;
	(pc) =	sbr.rel @p0 .LBB2_1-.Ltmp5, $4  }
0x150: {  	[hbm4b:s14+s1] =	stream.linear.scatter [tilespmem:s18], [sflag:$0x5], $0x5000, $0x38;
	[tilespmem:$0x1AF40] =	vst v63  }
0x151: {  	_ =	swait.ge [sflag:s17], $0x5000  }
0x152: {  	[sflag:s17] =	ssyncset.done $0x0  }
0x153: {  	[sflag:s17] =	ssyncadd.s32 $0xFFFFB000  }
0x154: {  	_ =	sfence.sel $0x180000  }
0x155: {  	[bflag:$0x0] =	sbarrier.arrive $0xFFFF  }
0x156: {  	_ =	strace $0x9000004A  }
0x157: {  	s0 =	stileid.u32;
	[bflag:$0x2] =	sbarrier.arrive $0xFFFF  }
0x158: {  	p0 =	sne.s32 s0, $0x0;
	s0 =	rddreg [dreg:$0x2]  }
0x159: {  	s0 =	sadd.s32 @!p0 $0x100000, s0  }
0x15a: {  	[sflag:s0] =	ssyncadd.tile.s32 @!p0 $0x1;
	_ =	shalt  }
.Lfunc_end2:
_tile_overlayer_lowered:
.L_overlay_start_2:
0x15b: {  	(tag) =	ssettag $0x2  }
0x15c: {  	s0 =	rddreg [dreg:$0x0];
	s2 =	stileid.u32  }
0x15d: {  	s1 =	rddreg [dreg:$0x1];
	p0 =	sne.s32 s2, $0x0  }
0x15e: {  	s3 =	rddreg [dreg:$0x2];
	[bflag:$0x3] =	sbarrier.arrive $0xFFFF;
	s2 =	simm.s32 @!p0 $0x1C05  }
0x15f: {  	[timem:s3], [sflag:s2] =	dma.local @!p0 [hbm:s0], s1  }
0x160: {  	s0 =	simm.s32 @!p0 $0x5  }
0x161: {  	_ =	swait.ge @!p0 [sflag:s0], s1  }
0x162: {  	s1 =	ssub.s32 @!p0 $0x0, s1;
	[sflag:s0] =	ssyncset.done @!p0 $0x0  }
0x163: {  	[sflag:s0] =	ssyncadd.s32 @!p0 s1  }
0x164: {  	[bflag:$0x3] =	sbarrier.arrive $0xFFFF  }
0x165: {  	_ =	shalt  }

</sc_bundles>
